<compile_context>
chip_gen: v7x
topology: tpu7x:2x2x1
jax: 0.10.2.dev20260603
libtpu: 0.0.44.dev20260713+nightly
codegen_flags: <defaults>
</compile_context>

<pallas_src>
import functools

import jax
import jax.numpy as jnp
from jax import lax
from jax.experimental import pallas as pl
from jax.experimental.pallas import tpu as pltpu
from jax.experimental.pallas import tpu_sc as plsc

B, S, N, DIM, K = 4, 256, 16384, 256, 16
CW = 2048
NCH = N // CW
CHK = 128
NCK = N // CHK
BSK = B * S * K
KPW = 8
EPW = 128
NW = 32
QW = (B * S) // NW
RPW = QW * K
GCH = 32
CAP = 96
CBUF = 128



def _pre_body(qp_ref, kpt_ref, cid_ref, tau_ref):
    qp = qp_ref[0]
    q2 = jnp.sum(qp * qp, axis=1, keepdims=True)
    col = lax.broadcasted_iota(jnp.int32, (S, NCK), 1)
    mpc = CW // CHK

    def build(c, mv):
        kc = kpt_ref[0, :, pl.dslice(c * CW, CW)]
        qk = lax.dot_general(qp, kc, (((1,), (0,)), ((), ())),
                             preferred_element_type=jnp.float32)
        k2 = jnp.sum(kc * kc, axis=0, keepdims=True)
        dc = q2 + k2 - 2.0 * qk
        for i in range(mpc):
            mi = jnp.min(dc[:, i * CHK:(i + 1) * CHK], axis=1,
                         keepdims=True)
            mv = jnp.where(col == c * mpc + i, mi, mv)
        return mv

    m_all = lax.fori_loop(0, NCH, build,
                          jnp.full((S, NCK), jnp.inf, jnp.float32))
    gi = col
    kiota = lax.broadcasted_iota(jnp.int32, (S, K), 1)
    big_i = jnp.int32(NCK)

    def select(t, carry):
        dprev, iprev, acc = carry
        elig = (m_all > dprev) | ((m_all == dprev) & (gi > iprev))
        de = jnp.where(elig, m_all, jnp.inf)
        cm = jnp.min(de, axis=1, keepdims=True)
        ca = jnp.min(jnp.where(de == cm, gi, big_i), axis=1, keepdims=True)
        acc = jnp.where(kiota == t, ca, acc)
        return cm, ca, acc

    d0 = jnp.full((S, 1), -jnp.inf, jnp.float32)
    i0 = jnp.full((S, 1), jnp.int32(-1), jnp.int32)
    acc0 = jnp.zeros((S, K), jnp.int32)
    tau, _, acc = lax.fori_loop(0, K, select, (d0, i0, acc0))
    cid_ref[0] = acc
    tau = tau + jnp.abs(tau) * 1e-4 + 2e-6
    tau_ref[0] = jnp.broadcast_to(tau, (S, K))


def _prefilter(qp8, kpt8):
    return pl.pallas_call(
        _pre_body,
        grid=(B,),
        in_specs=[
            pl.BlockSpec((1, S, 8), lambda b: (b, 0, 0)),
            pl.BlockSpec((1, 8, N), lambda b: (b, 0, 0)),
        ],
        out_specs=[
            pl.BlockSpec((1, S, K), lambda b: (b, 0, 0)),
            pl.BlockSpec((1, S, K), lambda b: (b, 0, 0)),
        ],
        out_shape=[
            jax.ShapeDtypeStruct((B, S, K), jnp.int32),
            jax.ShapeDtypeStruct((B, S, K), jnp.float32),
        ],
    )(qp8, kpt8)



def _bfr(x):
    u = plsc.bitcast(x, jnp.int32)
    r = (u + 0x7FFF + (lax.shift_right_logical(u, 16) & 1)) & jnp.int32(-65536)
    return plsc.bitcast(r, jnp.float32)


def _sc_refine_gather(kf2d, kx, ky, kz, qx, qy, qz, cid_flat):
    mesh = plsc.VectorSubcoreMesh(core_axis_name="c", subcore_axis_name="s")
    i32 = jnp.int32
    f32 = jnp.float32

    @functools.partial(
        pl.kernel, mesh=mesh,
        compiler_params=pltpu.CompilerParams(needs_layout_passes=False),
        out_type=[
            jax.ShapeDtypeStruct((BSK, DIM), f32),
            jax.ShapeDtypeStruct((BSK, KPW), f32),
        ],
        scratch_types=[
            pltpu.VMEM((N,), f32),
            pltpu.VMEM((N,), f32),
            pltpu.VMEM((N,), f32),
            pltpu.VMEM((QW * K,), i32),
            pltpu.VMEM((128,), f32),
            pltpu.VMEM((128,), f32),
            pltpu.VMEM((128,), f32),
            pltpu.VMEM((RPW,), i32),
            pltpu.VMEM((RPW, KPW), f32),
            pltpu.VMEM((GCH, DIM), f32),
            pltpu.SemaphoreType.DMA,
        ],
    )
    def refine(kf_hbm, kx_hbm, ky_hbm, kz_hbm, qx_hbm, qy_hbm, qz_hbm,
               cid_hbm, okf_hbm, okp_hbm,
               kx_v, ky_v, kz_v, cids_v, qx_v, qy_v, qz_v,
               fin_i, kp_buf, rows_v, sem):
        wid = lax.axis_index("s") * 2 + lax.axis_index("c")
        b = wid // (NW // B)
        qbase = wid * QW
        rbase = wid * RPW

        pltpu.sync_copy(kx_hbm.at[pl.dslice(b * N, N)], kx_v)
        pltpu.sync_copy(ky_hbm.at[pl.dslice(b * N, N)], ky_v)
        pltpu.sync_copy(kz_hbm.at[pl.dslice(b * N, N)], kz_v)
        pltpu.sync_copy(cid_hbm.at[pl.dslice(qbase * K, QW * K)], cids_v)
        pltpu.sync_copy(qx_hbm.at[pl.dslice(qbase, QW)],
                        qx_v.at[pl.dslice(0, QW)])
        pltpu.sync_copy(qy_hbm.at[pl.dslice(qbase, QW)],
                        qy_v.at[pl.dslice(0, QW)])
        pltpu.sync_copy(qz_hbm.at[pl.dslice(qbase, QW)],
                        qz_v.at[pl.dslice(0, QW)])

        lanes = lax.iota(i32, 16)
        zero16 = jnp.zeros((16,), i32)

        def bc(refv, idx_scalar):
            return plsc.load_gather(refv, [zero16 + idx_scalar])

        def per_query(q, _):
            q16 = q * K
            qxv = bc(qx_v, q)
            qyv = bc(qy_v, q)
            qzv = bc(qz_v, q)
            q2v = qxv * qxv + qyv * qyv + qzv * qzv
            qxb = _bfr(qxv)
            qyb = _bfr(qyv)
            qzb = _bfr(qzv)
            inf16 = jnp.full((16,), jnp.inf, f32)

            def chunk_body(j, carry):
                rk, ri = carry
                cidv = bc(cids_v, q16 + j)
                for i in range(CHK // 16):
                    pidx = cidv * CHK + (lanes + 16 * i)
                    kxv = plsc.load_gather(kx_v, [pidx])
                    kyv = plsc.load_gather(ky_v, [pidx])
                    kzv = plsc.load_gather(kz_v, [pidx])
                    k2 = kxv * kxv + kyv * kyv + kzv * kzv
                    qk = (qxb * _bfr(kxv) + qyb * _bfr(kyv)
                          + qzb * _bfr(kzv))
                    d = q2v + k2 - 2.0 * qk
                    gs, gi2 = plsc.sort_key_val(d, pidx)
                    grev = lax.rev(gs, (0,))
                    girev = lax.rev(gi2, (0,))
                    lo = jnp.minimum(rk, grev)
                    li = jnp.where(rk <= grev, ri, girev)
                    rk, ri = plsc.sort_key_val(lo, li)
                return rk, ri

            _, ri = lax.fori_loop(0, K, chunk_body, (inf16, zero16))
            rowv = zero16 + q16 + lanes
            kxg = plsc.load_gather(kx_v, [ri])
            kyg = plsc.load_gather(ky_v, [ri])
            kzg = plsc.load_gather(kz_v, [ri])
            plsc.store_scatter(kp_buf, [rowv, zero16], kxg)
            plsc.store_scatter(kp_buf, [rowv, zero16 + 1], kyg)
            plsc.store_scatter(kp_buf, [rowv, zero16 + 2], kzg)
            for c in range(3, KPW):
                plsc.store_scatter(kp_buf, [rowv, zero16 + c],
                                   jnp.zeros((16,), f32))
            plsc.store_scatter(fin_i, [rowv], ri + b * N)
            return 0

        lax.fori_loop(0, QW, per_query, 0)

        def gather_body(j, _):
            idx_j = fin_i.at[pl.dslice(j * GCH, GCH)]
            pltpu.async_copy(kf_hbm.at[idx_j], rows_v, sem).wait()
            pltpu.sync_copy(rows_v,
                            okf_hbm.at[pl.dslice(rbase + j * GCH, GCH)])
            return 0

        lax.fori_loop(0, RPW // GCH, gather_body, 0)
        pltpu.sync_copy(kp_buf, okp_hbm.at[pl.dslice(rbase, RPW)])

    return refine(kf2d, kx, ky, kz, qx, qy, qz, cid_flat)



def _epi_body(kf_ref, kp_ref, qf_ref, qp_ref, wq_ref, wk_ref, wv_ref,
              w1_ref, w2_ref, bq_ref, bk_ref, bv_ref, b1_ref, b2_ref,
              out_ref):
    kf = kf_ref[0]
    kp = kp_ref[0]
    qf = qf_ref[0]
    qp = qp_ref[0]

    wqs = jnp.sum(wq_ref[...], axis=0, keepdims=True)
    wks = jnp.sum(wk_ref[...], axis=0, keepdims=True)
    w2s = jnp.sum(w2_ref[...], axis=0, keepdims=True)
    bqs = jnp.sum(bq_ref[...])
    bks = jnp.sum(bk_ref[...])
    b2s = jnp.sum(b2_ref[...])

    dot = functools.partial(lax.dot_general,
                            preferred_element_type=jnp.float32)
    cN = (((1,), (1,)), ((), ()))
    c0 = (((1,), (0,)), ((), ()))

    qsum = jnp.sum(qf * wqs, axis=1, keepdims=True) + bqs
    ksum = jnp.sum(kf * wks, axis=1, keepdims=True) + bks

    qpw = dot(qp, w1_ref[:8, :], c0)
    kpw = dot(kp, w1_ref[...], c0)
    h3 = jnp.maximum(
        qpw[:, None, :] - kpw.reshape(S, K, DIM) + b1_ref[...][None], 0.0)
    possum = jnp.sum(h3.reshape(S * K, DIM) * w2s, axis=1,
                     keepdims=True) + b2s

    z2 = (possum - ksum).reshape(S, K)
    logits = z2 + qsum
    mx = jnp.max(logits, axis=1, keepdims=True)
    e = jnp.exp(logits - mx)
    attn_n = e / jnp.sum(e, axis=1, keepdims=True)
    colsum = jnp.sum(attn_n, axis=0, keepdims=True)
    attn = attn_n / (colsum + 1e-6)
    attn_k = jnp.sum(attn, axis=1, keepdims=True)

    wkf = attn.reshape(S * K, 1) * kf
    agg = jnp.sum(wkf.reshape(S, K, DIM), axis=1)
    out_ref[0] = dot(agg, wv_ref[...], cN) + attn_k * bv_ref[...]


def _epilogue(kf_nb, kp_nb, q_feat, qp8, Wq, Wk, Wv, W1T, W2,
              bq, bk, bv, b1, b2):
    full = lambda s: pl.BlockSpec(s, lambda b: tuple(0 for _ in s))
    return pl.pallas_call(
        _epi_body,
        grid=(B,),
        in_specs=[
            pl.BlockSpec((1, S * K, DIM), lambda b: (b, 0, 0)),
            pl.BlockSpec((1, S * K, EPW), lambda b: (b, 0, 0)),
            pl.BlockSpec((1, S, DIM), lambda b: (b, 0, 0)),
            pl.BlockSpec((1, S, 8), lambda b: (b, 0, 0)),
            full((DIM, DIM)), full((DIM, DIM)), full((DIM, DIM)),
            full((EPW, DIM)), full((DIM, DIM)),
            full((1, DIM)), full((1, DIM)), full((1, DIM)),
            full((1, DIM)), full((1, DIM)),
        ],
        out_specs=pl.BlockSpec((1, S, DIM), lambda b: (b, 0, 0)),
        out_shape=jax.ShapeDtypeStruct((B, S, DIM), jnp.float32),
    )(kf_nb, kp_nb, q_feat, qp8, Wq, Wk, Wv, W1T, W2, bq, bk, bv, b1, b2)



def kernel(q_feat, k_feat, q_pos, k_pos, Wq, bq, Wk, bk, Wv, bv,
           W1, b1, W2, b2):
    f32 = jnp.float32
    qp8 = jnp.pad(q_pos, ((0, 0), (0, 0), (0, 5)))
    kpt8 = jnp.pad(jnp.swapaxes(k_pos, 1, 2), ((0, 0), (0, 5), (0, 0)))
    kf2d = k_feat.reshape(B * N, DIM)
    kx = k_pos[:, :, 0].reshape(B * N)
    ky = k_pos[:, :, 1].reshape(B * N)
    kz = k_pos[:, :, 2].reshape(B * N)
    qx = q_pos[:, :, 0].reshape(B * S)
    qy = q_pos[:, :, 1].reshape(B * S)
    qz = q_pos[:, :, 2].reshape(B * S)
    w1t = jnp.pad(W1.T, ((0, EPW - 3), (0, 0)))

    cid, _ = _prefilter(qp8, kpt8)
    kf_nb, kp_nb = _sc_refine_gather(
        kf2d, kx, ky, kz, qx, qy, qz, cid.reshape(BSK))
    kp_nb = jnp.pad(kp_nb, ((0, 0), (0, EPW - KPW)))

    out = _epilogue(
        kf_nb.reshape(B, S * K, DIM), kp_nb.reshape(B, S * K, EPW),
        q_feat, qp8, Wq, Wk, Wv, w1t, W2,
        bq.reshape(1, DIM).astype(f32), bk.reshape(1, DIM),
        bv.reshape(1, DIM), b1.reshape(1, DIM), b2.reshape(1, DIM))
    return out

# --- scband reference (transcript-rebuilt; emitter-appended) ---
"""Pipeline reference for scband-point-transformer-attention-62878321214016 (READ-ONLY COPY).

The authoritative reference and input builder live on the scoring server;
editing this copy changes nothing except your own understanding.
"""

import jax, jax.numpy as jnp
import numpy as np

B, S, N, DIM, K = 4, 256, 16384, 256, 16

def knn(k_pos, q_pos, k):
    # squared euclidean distances (B, S, N) via ||q||^2 + ||k||^2 - 2 q.k
    q2 = jnp.sum(q_pos * q_pos, axis=-1)[:, :, None]
    k2 = jnp.sum(k_pos * k_pos, axis=-1)[:, None, :]
    dist = q2 + k2 - 2.0 * jnp.einsum('bsd,bnd->bsn', q_pos, k_pos)
    _, idx = jax.lax.top_k(-dist, k)  # (B, S, k) indices of nearest points
    return idx

def setup_inputs(seed: int = 0) -> dict:
    key = jax.random.key(seed)
    ks = jax.random.split(key, 16)
    s = 0.02
    return {
        'q_feat': jax.random.normal(ks[0], (B, S, DIM), dtype=jnp.float32),
        'k_feat': jax.random.normal(ks[1], (B, N, DIM), dtype=jnp.float32),
        'q_pos': jax.random.uniform(ks[2], (B, S, 3), dtype=jnp.float32),
        'k_pos': jax.random.uniform(ks[3], (B, N, 3), dtype=jnp.float32),
        'Wq': jax.random.normal(ks[4], (DIM, DIM), dtype=jnp.float32) * s,
        'bq': jnp.zeros((DIM,), dtype=jnp.float32),
        'Wk': jax.random.normal(ks[5], (DIM, DIM), dtype=jnp.float32) * s,
        'bk': jnp.zeros((DIM,), dtype=jnp.float32),
        'Wv': jax.random.normal(ks[6], (DIM, DIM), dtype=jnp.float32) * s,
        'bv': jnp.zeros((DIM,), dtype=jnp.float32),
        'W1': jax.random.normal(ks[7], (DIM, 3), dtype=jnp.float32) * 0.5,
        'b1': jnp.zeros((DIM,), dtype=jnp.float32),
        'W2': jax.random.normal(ks[8], (DIM, DIM), dtype=jnp.float32) * s,
        'b2': jnp.zeros((DIM,), dtype=jnp.float32),
    }

def reference(q_feat, k_feat, q_pos, k_pos, Wq, bq, Wk, bk, Wv, bv, W1, b1, W2, b2):
    q = q_feat @ Wq.T + bq                       # (B, S, D)
    k = k_feat @ Wk.T + bk                       # (B, N, D)
    v = k_feat @ Wv.T + bv                       # (B, N, D)
    idx = knn(k_pos, q_pos, K)                   # (B, S, K)
    b_idx = jnp.arange(B)[:, None, None]
    k_neighbors = k[b_idx, idx]                  # (B, S, K, D) gather
    v_neighbors = v[b_idx, idx]                  # (B, S, K, D) gather
    k_pos_neighbors = k_pos[b_idx, idx]          # (B, S, K, 3) gather
    rel_pos = q_pos[:, :, None, :] - k_pos_neighbors
    h = jax.nn.relu(rel_pos @ W1.T + b1)
    pos_enc = h @ W2.T + b2                      # (B, S, K, D)
    attn_logits = jnp.sum(q[:, :, None, :] - k_neighbors + pos_enc, axis=-1)  # (B, S, K)
    attn_norm = jax.nn.softmax(attn_logits, axis=-1)
    attn = attn_norm / (jnp.sum(attn_norm, axis=1, keepdims=True) + 1e-06)
    out = jnp.sum(attn[..., None] * v_neighbors, axis=2)  # (B, S, D)
    return out

if __name__ == "__main__":
    import jax
    _d = setup_inputs()
    print(jax.jit(kernel)(*tuple(_d.values())))

</pallas_src>

<mosaic_0001>
#map = affine_map<(d0, d1) -> (0, 0)>
#map1 = affine_map<(d0, d1) -> (0)>
module attributes {stable_mosaic.version = 14 : i64} {
  func.func @refine(%arg0: i32, %arg1: i32, %arg2: memref<65536x256xf32, #tpu.memory_space<hbm>>, %arg3: memref<65536xf32, #tpu.memory_space<hbm>>, %arg4: memref<65536xf32, #tpu.memory_space<hbm>>, %arg5: memref<65536xf32, #tpu.memory_space<hbm>>, %arg6: memref<1024xf32, #tpu.memory_space<hbm>>, %arg7: memref<1024xf32, #tpu.memory_space<hbm>>, %arg8: memref<1024xf32, #tpu.memory_space<hbm>>, %arg9: memref<16384xi32, #tpu.memory_space<hbm>>, %arg10: memref<16384x256xf32, #tpu.memory_space<hbm>>, %arg11: memref<16384x8xf32, #tpu.memory_space<hbm>>, %arg12: memref<16384xf32, #tpu.memory_space<vmem>>, %arg13: memref<16384xf32, #tpu.memory_space<vmem>>, %arg14: memref<16384xf32, #tpu.memory_space<vmem>>, %arg15: memref<512xi32, #tpu.memory_space<vmem>>, %arg16: memref<128xf32, #tpu.memory_space<vmem>>, %arg17: memref<128xf32, #tpu.memory_space<vmem>>, %arg18: memref<128xf32, #tpu.memory_space<vmem>>, %arg19: memref<512xi32, #tpu.memory_space<vmem>>, %arg20: memref<512x8xf32, #tpu.memory_space<vmem>>, %arg21: memref<32x256xf32, #tpu.memory_space<vmem>>, %arg22: memref<!tpu.dma_semaphore, #tpu.memory_space<semaphore_mem>>) attributes {dimension_semantics = [#tpu.dimension_semantics<core_parallel>, #tpu.dimension_semantics<subcore_parallel>], iteration_bounds = array<i64: 2, 16>, scalar_prefetch = 0 : i64, scratch_operands = 11 : i64, tpu.core_type = #tpu.core_type<sc_vector_subcore>, window_params = [{transform_indices = #map}, {transform_indices = #map1}, {transform_indices = #map1}, {transform_indices = #map1}, {transform_indices = #map1}, {transform_indices = #map1}, {transform_indices = #map1}, {transform_indices = #map1}, {transform_indices = #map}, {transform_indices = #map}]} {
    %mul3A = arith.constant 2 : i32
    %mul3A_0 = arith.muli %arg1, %mul3A : i32
    %add3A = arith.addi %mul3A_0, %arg0 : i32
    %jit3A = arith.constant 8 : i32
    %div3A = arith.divsi %add3A, %jit3A : i32
    %sign3A = arith.constant 0 : i32
    %sign3A_1 = arith.cmpi sgt, %add3A, %sign3A : i32
    %sign3A_2 = arith.extui %sign3A_1 : i1 to i32
    %sign3A_3 = arith.constant 0 : i32
    %sign3A_4 = arith.cmpi slt, %add3A, %sign3A_3 : i32
    %sign3A_5 = arith.extui %sign3A_4 : i1 to i32
    %sign3A_6 = arith.subi %sign3A_2, %sign3A_5 : i32
    %sign3A_7 = arith.constant 0 : i32
    %sign3A_8 = arith.cmpi sgt, %jit3A, %sign3A_7 : i32
    %sign3A_9 = arith.extui %sign3A_8 : i1 to i32
    %sign3A_10 = arith.constant 0 : i32
    %sign3A_11 = arith.cmpi slt, %jit3A, %sign3A_10 : i32
    %sign3A_12 = arith.extui %sign3A_11 : i1 to i32
    %sign3A_13 = arith.subi %sign3A_9, %sign3A_12 : i32
    %ne3A = arith.cmpi ne, %sign3A_6, %sign3A_13 : i32
    %rem3A = arith.remsi %add3A, %jit3A : i32
    %ne3A_14 = arith.constant 0 : i32
    %ne3A_15 = arith.cmpi ne, %rem3A, %ne3A_14 : i32
    %and3A = arith.andi %ne3A, %ne3A_15 : i1
    %sub3A = arith.constant 1 : i32
    %sub3A_16 = arith.subi %div3A, %sub3A : i32
    %select_n3A = arith.select %and3A, %sub3A_16, %div3A : i32
    %mul3A_17 = arith.constant 32 : i32
    %mul3A_18 = arith.muli %add3A, %mul3A_17 : i32
    %mul3A_19 = arith.constant 512 : i32
    %mul3A_20 = arith.muli %add3A, %mul3A_19 : i32
    %mul3A_21 = arith.constant 16384 : i32
    %mul3A_22 = arith.muli %select_n3A, %mul3A_21 : i32
    "tpu.region"() ({
      %run_scoped3A = tpu.sem_alloc : memref<!tpu.dma_semaphore, #tpu.memory_space<semaphore_mem>>
      %dma_start3A = tpu.memref_slice %arg3[%mul3A_22] : memref<65536xf32, #tpu.memory_space<hbm>> -> memref<16384xf32, #tpu.memory_space<hbm>>
      %dma_start3A_43 = tpu.memref_slice %arg3[%mul3A_22] : memref<65536xf32, #tpu.memory_space<hbm>> -> memref<16384xf32, #tpu.memory_space<hbm>>
      tpu.enqueue_dma source(%dma_start3A_43 : memref<16384xf32, #tpu.memory_space<hbm>>) target(%arg12 : memref<16384xf32, #tpu.memory_space<vmem>>) target_semaphore(%run_scoped3A : memref<!tpu.dma_semaphore, #tpu.memory_space<semaphore_mem>>)
      %dma_wait3A = tpu.memref_slice %arg3[%mul3A_22] : memref<65536xf32, #tpu.memory_space<hbm>> -> memref<16384xf32, #tpu.memory_space<hbm>>
      %dma_wait3A_44 = tpu.memref_slice %arg3[%mul3A_22] : memref<65536xf32, #tpu.memory_space<hbm>> -> memref<16384xf32, #tpu.memory_space<hbm>>
      tpu.wait_dma2 semaphore(%run_scoped3A : memref<!tpu.dma_semaphore, #tpu.memory_space<semaphore_mem>>) src(%dma_wait3A_44 : memref<16384xf32, #tpu.memory_space<hbm>>) dst(%arg12 : memref<16384xf32, #tpu.memory_space<vmem>>)
      tpu.yield
    }) : () -> ()
    %mul3A_23 = arith.constant 16384 : i32
    %mul3A_24 = arith.muli %select_n3A, %mul3A_23 : i32
    "tpu.region"() ({
      %run_scoped3A = tpu.sem_alloc : memref<!tpu.dma_semaphore, #tpu.memory_space<semaphore_mem>>
      %dma_start3A = tpu.memref_slice %arg4[%mul3A_24] : memref<65536xf32, #tpu.memory_space<hbm>> -> memref<16384xf32, #tpu.memory_space<hbm>>
      %dma_start3A_43 = tpu.memref_slice %arg4[%mul3A_24] : memref<65536xf32, #tpu.memory_space<hbm>> -> memref<16384xf32, #tpu.memory_space<hbm>>
      tpu.enqueue_dma source(%dma_start3A_43 : memref<16384xf32, #tpu.memory_space<hbm>>) target(%arg13 : memref<16384xf32, #tpu.memory_space<vmem>>) target_semaphore(%run_scoped3A : memref<!tpu.dma_semaphore, #tpu.memory_space<semaphore_mem>>)
      %dma_wait3A = tpu.memref_slice %arg4[%mul3A_24] : memref<65536xf32, #tpu.memory_space<hbm>> -> memref<16384xf32, #tpu.memory_space<hbm>>
      %dma_wait3A_44 = tpu.memref_slice %arg4[%mul3A_24] : memref<65536xf32, #tpu.memory_space<hbm>> -> memref<16384xf32, #tpu.memory_space<hbm>>
      tpu.wait_dma2 semaphore(%run_scoped3A : memref<!tpu.dma_semaphore, #tpu.memory_space<semaphore_mem>>) src(%dma_wait3A_44 : memref<16384xf32, #tpu.memory_space<hbm>>) dst(%arg13 : memref<16384xf32, #tpu.memory_space<vmem>>)
      tpu.yield
    }) : () -> ()
    %mul3A_25 = arith.constant 16384 : i32
    %mul3A_26 = arith.muli %select_n3A, %mul3A_25 : i32
    "tpu.region"() ({
      %run_scoped3A = tpu.sem_alloc : memref<!tpu.dma_semaphore, #tpu.memory_space<semaphore_mem>>
      %dma_start3A = tpu.memref_slice %arg5[%mul3A_26] : memref<65536xf32, #tpu.memory_space<hbm>> -> memref<16384xf32, #tpu.memory_space<hbm>>
      %dma_start3A_43 = tpu.memref_slice %arg5[%mul3A_26] : memref<65536xf32, #tpu.memory_space<hbm>> -> memref<16384xf32, #tpu.memory_space<hbm>>
      tpu.enqueue_dma source(%dma_start3A_43 : memref<16384xf32, #tpu.memory_space<hbm>>) target(%arg14 : memref<16384xf32, #tpu.memory_space<vmem>>) target_semaphore(%run_scoped3A : memref<!tpu.dma_semaphore, #tpu.memory_space<semaphore_mem>>)
      %dma_wait3A = tpu.memref_slice %arg5[%mul3A_26] : memref<65536xf32, #tpu.memory_space<hbm>> -> memref<16384xf32, #tpu.memory_space<hbm>>
      %dma_wait3A_44 = tpu.memref_slice %arg5[%mul3A_26] : memref<65536xf32, #tpu.memory_space<hbm>> -> memref<16384xf32, #tpu.memory_space<hbm>>
      tpu.wait_dma2 semaphore(%run_scoped3A : memref<!tpu.dma_semaphore, #tpu.memory_space<semaphore_mem>>) src(%dma_wait3A_44 : memref<16384xf32, #tpu.memory_space<hbm>>) dst(%arg14 : memref<16384xf32, #tpu.memory_space<vmem>>)
      tpu.yield
    }) : () -> ()
    %mul3A_27 = arith.constant 16 : i32
    %mul3A_28 = arith.muli %mul3A_18, %mul3A_27 : i32
    "tpu.region"() ({
      %run_scoped3A = tpu.sem_alloc : memref<!tpu.dma_semaphore, #tpu.memory_space<semaphore_mem>>
      %dma_start3A = tpu.memref_slice %arg9[%mul3A_28] : memref<16384xi32, #tpu.memory_space<hbm>> -> memref<512xi32, #tpu.memory_space<hbm>>
      %dma_start3A_43 = tpu.memref_slice %arg9[%mul3A_28] : memref<16384xi32, #tpu.memory_space<hbm>> -> memref<512xi32, #tpu.memory_space<hbm>>
      tpu.enqueue_dma source(%dma_start3A_43 : memref<512xi32, #tpu.memory_space<hbm>>) target(%arg15 : memref<512xi32, #tpu.memory_space<vmem>>) target_semaphore(%run_scoped3A : memref<!tpu.dma_semaphore, #tpu.memory_space<semaphore_mem>>)
      %dma_wait3A = tpu.memref_slice %arg9[%mul3A_28] : memref<16384xi32, #tpu.memory_space<hbm>> -> memref<512xi32, #tpu.memory_space<hbm>>
      %dma_wait3A_44 = tpu.memref_slice %arg9[%mul3A_28] : memref<16384xi32, #tpu.memory_space<hbm>> -> memref<512xi32, #tpu.memory_space<hbm>>
      tpu.wait_dma2 semaphore(%run_scoped3A : memref<!tpu.dma_semaphore, #tpu.memory_space<semaphore_mem>>) src(%dma_wait3A_44 : memref<512xi32, #tpu.memory_space<hbm>>) dst(%arg15 : memref<512xi32, #tpu.memory_space<vmem>>)
      tpu.yield
    }) : () -> ()
    "tpu.region"() ({
      %run_scoped3A = tpu.sem_alloc : memref<!tpu.dma_semaphore, #tpu.memory_space<semaphore_mem>>
      %dma_start3A = arith.constant 0 : i32
      %dma_start3A_43 = tpu.memref_slice %arg16[%dma_start3A] : memref<128xf32, #tpu.memory_space<vmem>> -> memref<32xf32, #tpu.memory_space<vmem>>
      %dma_start3A_44 = tpu.memref_slice %arg6[%mul3A_18] : memref<1024xf32, #tpu.memory_space<hbm>> -> memref<32xf32, #tpu.memory_space<hbm>>
      %dma_start3A_45 = arith.constant 0 : i32
      %dma_start3A_46 = tpu.memref_slice %arg16[%dma_start3A_45] : memref<128xf32, #tpu.memory_space<vmem>> -> memref<32xf32, #tpu.memory_space<vmem>>
      %dma_start3A_47 = tpu.memref_slice %arg6[%mul3A_18] : memref<1024xf32, #tpu.memory_space<hbm>> -> memref<32xf32, #tpu.memory_space<hbm>>
      tpu.enqueue_dma source(%dma_start3A_47 : memref<32xf32, #tpu.memory_space<hbm>>) target(%dma_start3A_46 : memref<32xf32, #tpu.memory_space<vmem>>) target_semaphore(%run_scoped3A : memref<!tpu.dma_semaphore, #tpu.memory_space<semaphore_mem>>)
      %dma_wait3A = arith.constant 0 : i32
      %dma_wait3A_48 = tpu.memref_slice %arg16[%dma_wait3A] : memref<128xf32, #tpu.memory_space<vmem>> -> memref<32xf32, #tpu.memory_space<vmem>>
      %dma_wait3A_49 = tpu.memref_slice %arg6[%mul3A_18] : memref<1024xf32, #tpu.memory_space<hbm>> -> memref<32xf32, #tpu.memory_space<hbm>>
      %dma_wait3A_50 = arith.constant 0 : i32
      %dma_wait3A_51 = tpu.memref_slice %arg16[%dma_wait3A_50] : memref<128xf32, #tpu.memory_space<vmem>> -> memref<32xf32, #tpu.memory_space<vmem>>
      %dma_wait3A_52 = tpu.memref_slice %arg6[%mul3A_18] : memref<1024xf32, #tpu.memory_space<hbm>> -> memref<32xf32, #tpu.memory_space<hbm>>
      tpu.wait_dma2 semaphore(%run_scoped3A : memref<!tpu.dma_semaphore, #tpu.memory_space<semaphore_mem>>) src(%dma_wait3A_52 : memref<32xf32, #tpu.memory_space<hbm>>) dst(%dma_wait3A_51 : memref<32xf32, #tpu.memory_space<vmem>>)
      tpu.yield
    }) : () -> ()
    "tpu.region"() ({
      %run_scoped3A = tpu.sem_alloc : memref<!tpu.dma_semaphore, #tpu.memory_space<semaphore_mem>>
      %dma_start3A = arith.constant 0 : i32
      %dma_start3A_43 = tpu.memref_slice %arg17[%dma_start3A] : memref<128xf32, #tpu.memory_space<vmem>> -> memref<32xf32, #tpu.memory_space<vmem>>
      %dma_start3A_44 = tpu.memref_slice %arg7[%mul3A_18] : memref<1024xf32, #tpu.memory_space<hbm>> -> memref<32xf32, #tpu.memory_space<hbm>>
      %dma_start3A_45 = arith.constant 0 : i32
      %dma_start3A_46 = tpu.memref_slice %arg17[%dma_start3A_45] : memref<128xf32, #tpu.memory_space<vmem>> -> memref<32xf32, #tpu.memory_space<vmem>>
      %dma_start3A_47 = tpu.memref_slice %arg7[%mul3A_18] : memref<1024xf32, #tpu.memory_space<hbm>> -> memref<32xf32, #tpu.memory_space<hbm>>
      tpu.enqueue_dma source(%dma_start3A_47 : memref<32xf32, #tpu.memory_space<hbm>>) target(%dma_start3A_46 : memref<32xf32, #tpu.memory_space<vmem>>) target_semaphore(%run_scoped3A : memref<!tpu.dma_semaphore, #tpu.memory_space<semaphore_mem>>)
      %dma_wait3A = arith.constant 0 : i32
      %dma_wait3A_48 = tpu.memref_slice %arg17[%dma_wait3A] : memref<128xf32, #tpu.memory_space<vmem>> -> memref<32xf32, #tpu.memory_space<vmem>>
      %dma_wait3A_49 = tpu.memref_slice %arg7[%mul3A_18] : memref<1024xf32, #tpu.memory_space<hbm>> -> memref<32xf32, #tpu.memory_space<hbm>>
      %dma_wait3A_50 = arith.constant 0 : i32
      %dma_wait3A_51 = tpu.memref_slice %arg17[%dma_wait3A_50] : memref<128xf32, #tpu.memory_space<vmem>> -> memref<32xf32, #tpu.memory_space<vmem>>
      %dma_wait3A_52 = tpu.memref_slice %arg7[%mul3A_18] : memref<1024xf32, #tpu.memory_space<hbm>> -> memref<32xf32, #tpu.memory_space<hbm>>
      tpu.wait_dma2 semaphore(%run_scoped3A : memref<!tpu.dma_semaphore, #tpu.memory_space<semaphore_mem>>) src(%dma_wait3A_52 : memref<32xf32, #tpu.memory_space<hbm>>) dst(%dma_wait3A_51 : memref<32xf32, #tpu.memory_space<vmem>>)
      tpu.yield
    }) : () -> ()
    "tpu.region"() ({
      %run_scoped3A = tpu.sem_alloc : memref<!tpu.dma_semaphore, #tpu.memory_space<semaphore_mem>>
      %dma_start3A = arith.constant 0 : i32
      %dma_start3A_43 = tpu.memref_slice %arg18[%dma_start3A] : memref<128xf32, #tpu.memory_space<vmem>> -> memref<32xf32, #tpu.memory_space<vmem>>
      %dma_start3A_44 = tpu.memref_slice %arg8[%mul3A_18] : memref<1024xf32, #tpu.memory_space<hbm>> -> memref<32xf32, #tpu.memory_space<hbm>>
      %dma_start3A_45 = arith.constant 0 : i32
      %dma_start3A_46 = tpu.memref_slice %arg18[%dma_start3A_45] : memref<128xf32, #tpu.memory_space<vmem>> -> memref<32xf32, #tpu.memory_space<vmem>>
      %dma_start3A_47 = tpu.memref_slice %arg8[%mul3A_18] : memref<1024xf32, #tpu.memory_space<hbm>> -> memref<32xf32, #tpu.memory_space<hbm>>
      tpu.enqueue_dma source(%dma_start3A_47 : memref<32xf32, #tpu.memory_space<hbm>>) target(%dma_start3A_46 : memref<32xf32, #tpu.memory_space<vmem>>) target_semaphore(%run_scoped3A : memref<!tpu.dma_semaphore, #tpu.memory_space<semaphore_mem>>)
      %dma_wait3A = arith.constant 0 : i32
      %dma_wait3A_48 = tpu.memref_slice %arg18[%dma_wait3A] : memref<128xf32, #tpu.memory_space<vmem>> -> memref<32xf32, #tpu.memory_space<vmem>>
      %dma_wait3A_49 = tpu.memref_slice %arg8[%mul3A_18] : memref<1024xf32, #tpu.memory_space<hbm>> -> memref<32xf32, #tpu.memory_space<hbm>>
      %dma_wait3A_50 = arith.constant 0 : i32
      %dma_wait3A_51 = tpu.memref_slice %arg18[%dma_wait3A_50] : memref<128xf32, #tpu.memory_space<vmem>> -> memref<32xf32, #tpu.memory_space<vmem>>
      %dma_wait3A_52 = tpu.memref_slice %arg8[%mul3A_18] : memref<1024xf32, #tpu.memory_space<hbm>> -> memref<32xf32, #tpu.memory_space<hbm>>
      tpu.wait_dma2 semaphore(%run_scoped3A : memref<!tpu.dma_semaphore, #tpu.memory_space<semaphore_mem>>) src(%dma_wait3A_52 : memref<32xf32, #tpu.memory_space<hbm>>) dst(%dma_wait3A_51 : memref<32xf32, #tpu.memory_space<vmem>>)
      tpu.yield
    }) : () -> ()
    %iota3A = tpu.iota {dimensions = array<i32: 0>} : vector<16xi32>
    %broadcast_in_dim3A = arith.constant 0 : i32
    %broadcast_in_dim3A_29 = vector.broadcast %broadcast_in_dim3A : i32 to vector<16xi32>
    %scan3A = arith.constant 0 : i32
    %scan3A_30 = arith.constant 0 : i32
    %scan3A_31 = arith.constant 32 : i32
    %scan3A_32 = arith.addi %scan3A_30, %scan3A_31 : i32
    %scan3A_33 = arith.constant 1 : i32
    %scan3A_34 = scf.for %scan3A_43 = %scan3A_30 to %scan3A_32 step %scan3A_33 iter_args(%scan3A_44 = %scan3A) -> (i32)  : i32 {
      %mul3A_45 = arith.constant 16 : i32
      %mul3A_46 = arith.muli %scan3A_43, %mul3A_45 : i32
      %add3A_47 = vector.broadcast %scan3A_43 : i32 to vector<16xi32>
      %add3A_48 = arith.addi %broadcast_in_dim3A_29, %add3A_47 : vector<16xi32>
      %gather3A = tpu.vector_load_idx %arg16[%add3A_48] : memref<128xf32, #tpu.memory_space<vmem>>[vector<16xi32>], vector<16xf32>,
      %add3A_49 = vector.broadcast %scan3A_43 : i32 to vector<16xi32>
      %add3A_50 = arith.addi %broadcast_in_dim3A_29, %add3A_49 : vector<16xi32>
      %gather3A_51 = tpu.vector_load_idx %arg17[%add3A_50] : memref<128xf32, #tpu.memory_space<vmem>>[vector<16xi32>], vector<16xf32>,
      %add3A_52 = vector.broadcast %scan3A_43 : i32 to vector<16xi32>
      %add3A_53 = arith.addi %broadcast_in_dim3A_29, %add3A_52 : vector<16xi32>
      %gather3A_54 = tpu.vector_load_idx %arg18[%add3A_53] : memref<128xf32, #tpu.memory_space<vmem>>[vector<16xi32>], vector<16xf32>,
      %mul3A_55 = arith.mulf %gather3A, %gather3A : vector<16xf32>
      %mul3A_56 = arith.mulf %gather3A_51, %gather3A_51 : vector<16xf32>
      %add3A_57 = arith.addf %mul3A_55, %mul3A_56 : vector<16xf32>
      %mul3A_58 = arith.mulf %gather3A_54, %gather3A_54 : vector<16xf32>
      %add3A_59 = arith.addf %add3A_57, %mul3A_58 : vector<16xf32>
      %bitcast3A = vector.bitcast %gather3A : vector<16xf32> to vector<16xi32>
      %add3A_60 = arith.constant 32767 : i32
      %add3A_61 = vector.broadcast %add3A_60 : i32 to vector<16xi32>
      %add3A_62 = arith.addi %bitcast3A, %add3A_61 : vector<16xi32>
      %shift_right_logical3A = arith.constant 16 : i32
      %shift_right_logical3A_63 = vector.broadcast %shift_right_logical3A : i32 to vector<16xi32>
      %shift_right_logical3A_64 = arith.shrui %bitcast3A, %shift_right_logical3A_63 : vector<16xi32>
      %and3A_65 = arith.constant 1 : i32
      %and3A_66 = vector.broadcast %and3A_65 : i32 to vector<16xi32>
      %and3A_67 = arith.andi %shift_right_logical3A_64, %and3A_66 : vector<16xi32>
      %add3A_68 = arith.addi %add3A_62, %and3A_67 : vector<16xi32>
      %and3A_69 = arith.constant -65536 : i32
      %and3A_70 = vector.broadcast %and3A_69 : i32 to vector<16xi32>
      %and3A_71 = arith.andi %add3A_68, %and3A_70 : vector<16xi32>
      %bitcast3A_72 = vector.bitcast %and3A_71 : vector<16xi32> to vector<16xf32>
      %bitcast3A_73 = vector.bitcast %gather3A_51 : vector<16xf32> to vector<16xi32>
      %add3A_74 = arith.constant 32767 : i32
      %add3A_75 = vector.broadcast %add3A_74 : i32 to vector<16xi32>
      %add3A_76 = arith.addi %bitcast3A_73, %add3A_75 : vector<16xi32>
      %shift_right_logical3A_77 = arith.constant 16 : i32
      %shift_right_logical3A_78 = vector.broadcast %shift_right_logical3A_77 : i32 to vector<16xi32>
      %shift_right_logical3A_79 = arith.shrui %bitcast3A_73, %shift_right_logical3A_78 : vector<16xi32>
      %and3A_80 = arith.constant 1 : i32
      %and3A_81 = vector.broadcast %and3A_80 : i32 to vector<16xi32>
      %and3A_82 = arith.andi %shift_right_logical3A_79, %and3A_81 : vector<16xi32>
      %add3A_83 = arith.addi %add3A_76, %and3A_82 : vector<16xi32>
      %and3A_84 = arith.constant -65536 : i32
      %and3A_85 = vector.broadcast %and3A_84 : i32 to vector<16xi32>
      %and3A_86 = arith.andi %add3A_83, %and3A_85 : vector<16xi32>
      %bitcast3A_87 = vector.bitcast %and3A_86 : vector<16xi32> to vector<16xf32>
      %bitcast3A_88 = vector.bitcast %gather3A_54 : vector<16xf32> to vector<16xi32>
      %add3A_89 = arith.constant 32767 : i32
      %add3A_90 = vector.broadcast %add3A_89 : i32 to vector<16xi32>
      %add3A_91 = arith.addi %bitcast3A_88, %add3A_90 : vector<16xi32>
      %shift_right_logical3A_92 = arith.constant 16 : i32
      %shift_right_logical3A_93 = vector.broadcast %shift_right_logical3A_92 : i32 to vector<16xi32>
      %shift_right_logical3A_94 = arith.shrui %bitcast3A_88, %shift_right_logical3A_93 : vector<16xi32>
      %and3A_95 = arith.constant 1 : i32
      %and3A_96 = vector.broadcast %and3A_95 : i32 to vector<16xi32>
      %and3A_97 = arith.andi %shift_right_logical3A_94, %and3A_96 : vector<16xi32>
      %add3A_98 = arith.addi %add3A_91, %and3A_97 : vector<16xi32>
      %and3A_99 = arith.constant -65536 : i32
      %and3A_100 = vector.broadcast %and3A_99 : i32 to vector<16xi32>
      %and3A_101 = arith.andi %add3A_98, %and3A_100 : vector<16xi32>
      %bitcast3A_102 = vector.bitcast %and3A_101 : vector<16xi32> to vector<16xf32>
      %broadcast_in_dim3A_103 = arith.constant 0x7F800000 : f32
      %broadcast_in_dim3A_104 = vector.broadcast %broadcast_in_dim3A_103 : f32 to vector<16xf32>
      %scan3A_105 = arith.constant 0 : i32
      %scan3A_106 = arith.constant 16 : i32
      %scan3A_107 = arith.addi %scan3A_105, %scan3A_106 : i32
      %scan3A_108 = arith.constant 1 : i32
      %scan3A_109:2 = scf.for %scan3A_153 = %scan3A_105 to %scan3A_107 step %scan3A_108 iter_args(%scan3A_154 = %broadcast_in_dim3A_104, %scan3A_155 = %broadcast_in_dim3A_29) -> (vector<16xf32>, vector<16xi32>)  : i32 {
        %add3A_156 = arith.addi %mul3A_46, %scan3A_153 : i32
        %add3A_157 = vector.broadcast %add3A_156 : i32 to vector<16xi32>
        %add3A_158 = arith.addi %broadcast_in_dim3A_29, %add3A_157 : vector<16xi32>
        %gather3A_159 = tpu.vector_load_idx %arg15[%add3A_158] : memref<512xi32, #tpu.memory_space<vmem>>[vector<16xi32>], vector<16xi32>,
        %mul3A_160 = arith.constant 128 : i32
        %mul3A_161 = vector.broadcast %mul3A_160 : i32 to vector<16xi32>
        %mul3A_162 = arith.muli %gather3A_159, %mul3A_161 : vector<16xi32>
        %add3A_163 = arith.constant 0 : i32
        %add3A_164 = vector.broadcast %add3A_163 : i32 to vector<16xi32>
        %add3A_165 = arith.addi %iota3A, %add3A_164 : vector<16xi32>
        %add3A_166 = arith.addi %mul3A_162, %add3A_165 : vector<16xi32>
        %gather3A_167 = tpu.vector_load_idx %arg12[%add3A_166] : memref<16384xf32, #tpu.memory_space<vmem>>[vector<16xi32>], vector<16xf32>,
        %gather3A_168 = tpu.vector_load_idx %arg13[%add3A_166] : memref<16384xf32, #tpu.memory_space<vmem>>[vector<16xi32>], vector<16xf32>,
        %gather3A_169 = tpu.vector_load_idx %arg14[%add3A_166] : memref<16384xf32, #tpu.memory_space<vmem>>[vector<16xi32>], vector<16xf32>,
        %mul3A_170 = arith.mulf %gather3A_167, %gather3A_167 : vector<16xf32>
        %mul3A_171 = arith.mulf %gather3A_168, %gather3A_168 : vector<16xf32>
        %add3A_172 = arith.addf %mul3A_170, %mul3A_171 : vector<16xf32>
        %mul3A_173 = arith.mulf %gather3A_169, %gather3A_169 : vector<16xf32>
        %add3A_174 = arith.addf %add3A_172, %mul3A_173 : vector<16xf32>
        %bitcast3A_175 = vector.bitcast %gather3A_167 : vector<16xf32> to vector<16xi32>
        %add3A_176 = arith.constant 32767 : i32
        %add3A_177 = vector.broadcast %add3A_176 : i32 to vector<16xi32>
        %add3A_178 = arith.addi %bitcast3A_175, %add3A_177 : vector<16xi32>
        %shift_right_logical3A_179 = arith.constant 16 : i32
        %shift_right_logical3A_180 = vector.broadcast %shift_right_logical3A_179 : i32 to vector<16xi32>
        %shift_right_logical3A_181 = arith.shrui %bitcast3A_175, %shift_right_logical3A_180 : vector<16xi32>
        %and3A_182 = arith.constant 1 : i32
        %and3A_183 = vector.broadcast %and3A_182 : i32 to vector<16xi32>
        %and3A_184 = arith.andi %shift_right_logical3A_181, %and3A_183 : vector<16xi32>
        %add3A_185 = arith.addi %add3A_178, %and3A_184 : vector<16xi32>
        %and3A_186 = arith.constant -65536 : i32
        %and3A_187 = vector.broadcast %and3A_186 : i32 to vector<16xi32>
        %and3A_188 = arith.andi %add3A_185, %and3A_187 : vector<16xi32>
        %bitcast3A_189 = vector.bitcast %and3A_188 : vector<16xi32> to vector<16xf32>
        %mul3A_190 = arith.mulf %bitcast3A_72, %bitcast3A_189 : vector<16xf32>
        %bitcast3A_191 = vector.bitcast %gather3A_168 : vector<16xf32> to vector<16xi32>
        %add3A_192 = arith.constant 32767 : i32
        %add3A_193 = vector.broadcast %add3A_192 : i32 to vector<16xi32>
        %add3A_194 = arith.addi %bitcast3A_191, %add3A_193 : vector<16xi32>
        %shift_right_logical3A_195 = arith.constant 16 : i32
        %shift_right_logical3A_196 = vector.broadcast %shift_right_logical3A_195 : i32 to vector<16xi32>
        %shift_right_logical3A_197 = arith.shrui %bitcast3A_191, %shift_right_logical3A_196 : vector<16xi32>
        %and3A_198 = arith.constant 1 : i32
        %and3A_199 = vector.broadcast %and3A_198 : i32 to vector<16xi32>
        %and3A_200 = arith.andi %shift_right_logical3A_197, %and3A_199 : vector<16xi32>
        %add3A_201 = arith.addi %add3A_194, %and3A_200 : vector<16xi32>
        %and3A_202 = arith.constant -65536 : i32
        %and3A_203 = vector.broadcast %and3A_202 : i32 to vector<16xi32>
        %and3A_204 = arith.andi %add3A_201, %and3A_203 : vector<16xi32>
        %bitcast3A_205 = vector.bitcast %and3A_204 : vector<16xi32> to vector<16xf32>
        %mul3A_206 = arith.mulf %bitcast3A_87, %bitcast3A_205 : vector<16xf32>
        %add3A_207 = arith.addf %mul3A_190, %mul3A_206 : vector<16xf32>
        %bitcast3A_208 = vector.bitcast %gather3A_169 : vector<16xf32> to vector<16xi32>
        %add3A_209 = arith.constant 32767 : i32
        %add3A_210 = vector.broadcast %add3A_209 : i32 to vector<16xi32>
        %add3A_211 = arith.addi %bitcast3A_208, %add3A_210 : vector<16xi32>
        %shift_right_logical3A_212 = arith.constant 16 : i32
        %shift_right_logical3A_213 = vector.broadcast %shift_right_logical3A_212 : i32 to vector<16xi32>
        %shift_right_logical3A_214 = arith.shrui %bitcast3A_208, %shift_right_logical3A_213 : vector<16xi32>
        %and3A_215 = arith.constant 1 : i32
        %and3A_216 = vector.broadcast %and3A_215 : i32 to vector<16xi32>
        %and3A_217 = arith.andi %shift_right_logical3A_214, %and3A_216 : vector<16xi32>
        %add3A_218 = arith.addi %add3A_211, %and3A_217 : vector<16xi32>
        %and3A_219 = arith.constant -65536 : i32
        %and3A_220 = vector.broadcast %and3A_219 : i32 to vector<16xi32>
        %and3A_221 = arith.andi %add3A_218, %and3A_220 : vector<16xi32>
        %bitcast3A_222 = vector.bitcast %and3A_221 : vector<16xi32> to vector<16xf32>
        %mul3A_223 = arith.mulf %bitcast3A_102, %bitcast3A_222 : vector<16xf32>
        %add3A_224 = arith.addf %add3A_207, %mul3A_223 : vector<16xf32>
        %add3A_225 = arith.addf %add3A_59, %add3A_174 : vector<16xf32>
        %mul3A_226 = arith.constant 2.000000e+00 : f32
        %mul3A_227 = vector.broadcast %mul3A_226 : f32 to vector<16xf32>
        %mul3A_228 = arith.mulf %mul3A_227, %add3A_224 : vector<16xf32>
        %sub3A_229 = arith.subf %add3A_225, %mul3A_228 : vector<16xf32>
        %masked_sort3A = arith.constant dense<true> : vector<16xi1>
        %masked_sort3A_230, %masked_sort3A_231, %masked_sort3A_232 = tpu.sort %sub3A_229, %add3A_166 masked %masked_sort3A : (vector<16xf32>, vector<16xi32>, vector<16xi1>) -> (vector<16xi1>, vector<16xf32>, vector<16xi32>)
        %rev3A = arith.constant 15 : i32
        %rev3A_233 = vector.broadcast %rev3A : i32 to vector<16xi32>
        %rev3A_234 = tpu.iota {dimensions = array<i32: 0>} : vector<16xi32>
        %rev3A_235 = arith.subi %rev3A_233, %rev3A_234 : vector<16xi32>
        %rev3A_236 = tpu.dynamic_gather %masked_sort3A_231[%rev3A_235] in [0] : vector<16xf32>, vector<16xi32> -> vector<16xf32>
        %rev3A_237 = arith.constant 15 : i32
        %rev3A_238 = vector.broadcast %rev3A_237 : i32 to vector<16xi32>
        %rev3A_239 = tpu.iota {dimensions = array<i32: 0>} : vector<16xi32>
        %rev3A_240 = arith.subi %rev3A_238, %rev3A_239 : vector<16xi32>
        %rev3A_241 = tpu.dynamic_gather %masked_sort3A_232[%rev3A_240] in [0] : vector<16xi32>, vector<16xi32> -> vector<16xi32>
        %min3A = arith.minimumf %scan3A_154, %rev3A_236 : vector<16xf32>
        %le3A = arith.cmpf ole, %scan3A_154, %rev3A_236 : vector<16xf32>
        %select_n3A_242 = arith.select %le3A, %scan3A_155, %rev3A_241 : vector<16xi1>, vector<16xi32>
        %masked_sort3A_243 = arith.constant dense<true> : vector<16xi1>
        %masked_sort3A_244, %masked_sort3A_245, %masked_sort3A_246 = tpu.sort %min3A, %select_n3A_242 masked %masked_sort3A_243 : (vector<16xf32>, vector<16xi32>, vector<16xi1>) -> (vector<16xi1>, vector<16xf32>, vector<16xi32>)
        %mul3A_247 = arith.constant 128 : i32
        %mul3A_248 = vector.broadcast %mul3A_247 : i32 to vector<16xi32>
        %mul3A_249 = arith.muli %gather3A_159, %mul3A_248 : vector<16xi32>
        %add3A_250 = arith.constant 16 : i32
        %add3A_251 = vector.broadcast %add3A_250 : i32 to vector<16xi32>
        %add3A_252 = arith.addi %iota3A, %add3A_251 : vector<16xi32>
        %add3A_253 = arith.addi %mul3A_249, %add3A_252 : vector<16xi32>
        %gather3A_254 = tpu.vector_load_idx %arg12[%add3A_253] : memref<16384xf32, #tpu.memory_space<vmem>>[vector<16xi32>], vector<16xf32>,
        %gather3A_255 = tpu.vector_load_idx %arg13[%add3A_253] : memref<16384xf32, #tpu.memory_space<vmem>>[vector<16xi32>], vector<16xf32>,
        %gather3A_256 = tpu.vector_load_idx %arg14[%add3A_253] : memref<16384xf32, #tpu.memory_space<vmem>>[vector<16xi32>], vector<16xf32>,
        %mul3A_257 = arith.mulf %gather3A_254, %gather3A_254 : vector<16xf32>
        %mul3A_258 = arith.mulf %gather3A_255, %gather3A_255 : vector<16xf32>
        %add3A_259 = arith.addf %mul3A_257, %mul3A_258 : vector<16xf32>
        %mul3A_260 = arith.mulf %gather3A_256, %gather3A_256 : vector<16xf32>
        %add3A_261 = arith.addf %add3A_259, %mul3A_260 : vector<16xf32>
        %bitcast3A_262 = vector.bitcast %gather3A_254 : vector<16xf32> to vector<16xi32>
        %add3A_263 = arith.constant 32767 : i32
        %add3A_264 = vector.broadcast %add3A_263 : i32 to vector<16xi32>
        %add3A_265 = arith.addi %bitcast3A_262, %add3A_264 : vector<16xi32>
        %shift_right_logical3A_266 = arith.constant 16 : i32
        %shift_right_logical3A_267 = vector.broadcast %shift_right_logical3A_266 : i32 to vector<16xi32>
        %shift_right_logical3A_268 = arith.shrui %bitcast3A_262, %shift_right_logical3A_267 : vector<16xi32>
        %and3A_269 = arith.constant 1 : i32
        %and3A_270 = vector.broadcast %and3A_269 : i32 to vector<16xi32>
        %and3A_271 = arith.andi %shift_right_logical3A_268, %and3A_270 : vector<16xi32>
        %add3A_272 = arith.addi %add3A_265, %and3A_271 : vector<16xi32>
        %and3A_273 = arith.constant -65536 : i32
        %and3A_274 = vector.broadcast %and3A_273 : i32 to vector<16xi32>
        %and3A_275 = arith.andi %add3A_272, %and3A_274 : vector<16xi32>
        %bitcast3A_276 = vector.bitcast %and3A_275 : vector<16xi32> to vector<16xf32>
        %mul3A_277 = arith.mulf %bitcast3A_72, %bitcast3A_276 : vector<16xf32>
        %bitcast3A_278 = vector.bitcast %gather3A_255 : vector<16xf32> to vector<16xi32>
        %add3A_279 = arith.constant 32767 : i32
        %add3A_280 = vector.broadcast %add3A_279 : i32 to vector<16xi32>
        %add3A_281 = arith.addi %bitcast3A_278, %add3A_280 : vector<16xi32>
        %shift_right_logical3A_282 = arith.constant 16 : i32
        %shift_right_logical3A_283 = vector.broadcast %shift_right_logical3A_282 : i32 to vector<16xi32>
        %shift_right_logical3A_284 = arith.shrui %bitcast3A_278, %shift_right_logical3A_283 : vector<16xi32>
        %and3A_285 = arith.constant 1 : i32
        %and3A_286 = vector.broadcast %and3A_285 : i32 to vector<16xi32>
        %and3A_287 = arith.andi %shift_right_logical3A_284, %and3A_286 : vector<16xi32>
        %add3A_288 = arith.addi %add3A_281, %and3A_287 : vector<16xi32>
        %and3A_289 = arith.constant -65536 : i32
        %and3A_290 = vector.broadcast %and3A_289 : i32 to vector<16xi32>
        %and3A_291 = arith.andi %add3A_288, %and3A_290 : vector<16xi32>
        %bitcast3A_292 = vector.bitcast %and3A_291 : vector<16xi32> to vector<16xf32>
        %mul3A_293 = arith.mulf %bitcast3A_87, %bitcast3A_292 : vector<16xf32>
        %add3A_294 = arith.addf %mul3A_277, %mul3A_293 : vector<16xf32>
        %bitcast3A_295 = vector.bitcast %gather3A_256 : vector<16xf32> to vector<16xi32>
        %add3A_296 = arith.constant 32767 : i32
        %add3A_297 = vector.broadcast %add3A_296 : i32 to vector<16xi32>
        %add3A_298 = arith.addi %bitcast3A_295, %add3A_297 : vector<16xi32>
        %shift_right_logical3A_299 = arith.constant 16 : i32
        %shift_right_logical3A_300 = vector.broadcast %shift_right_logical3A_299 : i32 to vector<16xi32>
        %shift_right_logical3A_301 = arith.shrui %bitcast3A_295, %shift_right_logical3A_300 : vector<16xi32>
        %and3A_302 = arith.constant 1 : i32
        %and3A_303 = vector.broadcast %and3A_302 : i32 to vector<16xi32>
        %and3A_304 = arith.andi %shift_right_logical3A_301, %and3A_303 : vector<16xi32>
        %add3A_305 = arith.addi %add3A_298, %and3A_304 : vector<16xi32>
        %and3A_306 = arith.constant -65536 : i32
        %and3A_307 = vector.broadcast %and3A_306 : i32 to vector<16xi32>
        %and3A_308 = arith.andi %add3A_305, %and3A_307 : vector<16xi32>
        %bitcast3A_309 = vector.bitcast %and3A_308 : vector<16xi32> to vector<16xf32>
        %mul3A_310 = arith.mulf %bitcast3A_102, %bitcast3A_309 : vector<16xf32>
        %add3A_311 = arith.addf %add3A_294, %mul3A_310 : vector<16xf32>
        %add3A_312 = arith.addf %add3A_59, %add3A_261 : vector<16xf32>
        %mul3A_313 = arith.constant 2.000000e+00 : f32
        %mul3A_314 = vector.broadcast %mul3A_313 : f32 to vector<16xf32>
        %mul3A_315 = arith.mulf %mul3A_314, %add3A_311 : vector<16xf32>
        %sub3A_316 = arith.subf %add3A_312, %mul3A_315 : vector<16xf32>
        %masked_sort3A_317 = arith.constant dense<true> : vector<16xi1>
        %masked_sort3A_318, %masked_sort3A_319, %masked_sort3A_320 = tpu.sort %sub3A_316, %add3A_253 masked %masked_sort3A_317 : (vector<16xf32>, vector<16xi32>, vector<16xi1>) -> (vector<16xi1>, vector<16xf32>, vector<16xi32>)
        %rev3A_321 = arith.constant 15 : i32
        %rev3A_322 = vector.broadcast %rev3A_321 : i32 to vector<16xi32>
        %rev3A_323 = tpu.iota {dimensions = array<i32: 0>} : vector<16xi32>
        %rev3A_324 = arith.subi %rev3A_322, %rev3A_323 : vector<16xi32>
        %rev3A_325 = tpu.dynamic_gather %masked_sort3A_319[%rev3A_324] in [0] : vector<16xf32>, vector<16xi32> -> vector<16xf32>
        %rev3A_326 = arith.constant 15 : i32
        %rev3A_327 = vector.broadcast %rev3A_326 : i32 to vector<16xi32>
        %rev3A_328 = tpu.iota {dimensions = array<i32: 0>} : vector<16xi32>
        %rev3A_329 = arith.subi %rev3A_327, %rev3A_328 : vector<16xi32>
        %rev3A_330 = tpu.dynamic_gather %masked_sort3A_320[%rev3A_329] in [0] : vector<16xi32>, vector<16xi32> -> vector<16xi32>
        %min3A_331 = arith.minimumf %masked_sort3A_245, %rev3A_325 : vector<16xf32>
        %le3A_332 = arith.cmpf ole, %masked_sort3A_245, %rev3A_325 : vector<16xf32>
        %select_n3A_333 = arith.select %le3A_332, %masked_sort3A_246, %rev3A_330 : vector<16xi1>, vector<16xi32>
        %masked_sort3A_334 = arith.constant dense<true> : vector<16xi1>
        %masked_sort3A_335, %masked_sort3A_336, %masked_sort3A_337 = tpu.sort %min3A_331, %select_n3A_333 masked %masked_sort3A_334 : (vector<16xf32>, vector<16xi32>, vector<16xi1>) -> (vector<16xi1>, vector<16xf32>, vector<16xi32>)
        %mul3A_338 = arith.constant 128 : i32
        %mul3A_339 = vector.broadcast %mul3A_338 : i32 to vector<16xi32>
        %mul3A_340 = arith.muli %gather3A_159, %mul3A_339 : vector<16xi32>
        %add3A_341 = arith.constant 32 : i32
        %add3A_342 = vector.broadcast %add3A_341 : i32 to vector<16xi32>
        %add3A_343 = arith.addi %iota3A, %add3A_342 : vector<16xi32>
        %add3A_344 = arith.addi %mul3A_340, %add3A_343 : vector<16xi32>
        %gather3A_345 = tpu.vector_load_idx %arg12[%add3A_344] : memref<16384xf32, #tpu.memory_space<vmem>>[vector<16xi32>], vector<16xf32>,
        %gather3A_346 = tpu.vector_load_idx %arg13[%add3A_344] : memref<16384xf32, #tpu.memory_space<vmem>>[vector<16xi32>], vector<16xf32>,
        %gather3A_347 = tpu.vector_load_idx %arg14[%add3A_344] : memref<16384xf32, #tpu.memory_space<vmem>>[vector<16xi32>], vector<16xf32>,
        %mul3A_348 = arith.mulf %gather3A_345, %gather3A_345 : vector<16xf32>
        %mul3A_349 = arith.mulf %gather3A_346, %gather3A_346 : vector<16xf32>
        %add3A_350 = arith.addf %mul3A_348, %mul3A_349 : vector<16xf32>
        %mul3A_351 = arith.mulf %gather3A_347, %gather3A_347 : vector<16xf32>
        %add3A_352 = arith.addf %add3A_350, %mul3A_351 : vector<16xf32>
        %bitcast3A_353 = vector.bitcast %gather3A_345 : vector<16xf32> to vector<16xi32>
        %add3A_354 = arith.constant 32767 : i32
        %add3A_355 = vector.broadcast %add3A_354 : i32 to vector<16xi32>
        %add3A_356 = arith.addi %bitcast3A_353, %add3A_355 : vector<16xi32>
        %shift_right_logical3A_357 = arith.constant 16 : i32
        %shift_right_logical3A_358 = vector.broadcast %shift_right_logical3A_357 : i32 to vector<16xi32>
        %shift_right_logical3A_359 = arith.shrui %bitcast3A_353, %shift_right_logical3A_358 : vector<16xi32>
        %and3A_360 = arith.constant 1 : i32
        %and3A_361 = vector.broadcast %and3A_360 : i32 to vector<16xi32>
        %and3A_362 = arith.andi %shift_right_logical3A_359, %and3A_361 : vector<16xi32>
        %add3A_363 = arith.addi %add3A_356, %and3A_362 : vector<16xi32>
        %and3A_364 = arith.constant -65536 : i32
        %and3A_365 = vector.broadcast %and3A_364 : i32 to vector<16xi32>
        %and3A_366 = arith.andi %add3A_363, %and3A_365 : vector<16xi32>
        %bitcast3A_367 = vector.bitcast %and3A_366 : vector<16xi32> to vector<16xf32>
        %mul3A_368 = arith.mulf %bitcast3A_72, %bitcast3A_367 : vector<16xf32>
        %bitcast3A_369 = vector.bitcast %gather3A_346 : vector<16xf32> to vector<16xi32>
        %add3A_370 = arith.constant 32767 : i32
        %add3A_371 = vector.broadcast %add3A_370 : i32 to vector<16xi32>
        %add3A_372 = arith.addi %bitcast3A_369, %add3A_371 : vector<16xi32>
        %shift_right_logical3A_373 = arith.constant 16 : i32
        %shift_right_logical3A_374 = vector.broadcast %shift_right_logical3A_373 : i32 to vector<16xi32>
        %shift_right_logical3A_375 = arith.shrui %bitcast3A_369, %shift_right_logical3A_374 : vector<16xi32>
        %and3A_376 = arith.constant 1 : i32
        %and3A_377 = vector.broadcast %and3A_376 : i32 to vector<16xi32>
        %and3A_378 = arith.andi %shift_right_logical3A_375, %and3A_377 : vector<16xi32>
        %add3A_379 = arith.addi %add3A_372, %and3A_378 : vector<16xi32>
        %and3A_380 = arith.constant -65536 : i32
        %and3A_381 = vector.broadcast %and3A_380 : i32 to vector<16xi32>
        %and3A_382 = arith.andi %add3A_379, %and3A_381 : vector<16xi32>
        %bitcast3A_383 = vector.bitcast %and3A_382 : vector<16xi32> to vector<16xf32>
        %mul3A_384 = arith.mulf %bitcast3A_87, %bitcast3A_383 : vector<16xf32>
        %add3A_385 = arith.addf %mul3A_368, %mul3A_384 : vector<16xf32>
        %bitcast3A_386 = vector.bitcast %gather3A_347 : vector<16xf32> to vector<16xi32>
        %add3A_387 = arith.constant 32767 : i32
        %add3A_388 = vector.broadcast %add3A_387 : i32 to vector<16xi32>
        %add3A_389 = arith.addi %bitcast3A_386, %add3A_388 : vector<16xi32>
        %shift_right_logical3A_390 = arith.constant 16 : i32
        %shift_right_logical3A_391 = vector.broadcast %shift_right_logical3A_390 : i32 to vector<16xi32>
        %shift_right_logical3A_392 = arith.shrui %bitcast3A_386, %shift_right_logical3A_391 : vector<16xi32>
        %and3A_393 = arith.constant 1 : i32
        %and3A_394 = vector.broadcast %and3A_393 : i32 to vector<16xi32>
        %and3A_395 = arith.andi %shift_right_logical3A_392, %and3A_394 : vector<16xi32>
        %add3A_396 = arith.addi %add3A_389, %and3A_395 : vector<16xi32>
        %and3A_397 = arith.constant -65536 : i32
        %and3A_398 = vector.broadcast %and3A_397 : i32 to vector<16xi32>
        %and3A_399 = arith.andi %add3A_396, %and3A_398 : vector<16xi32>
        %bitcast3A_400 = vector.bitcast %and3A_399 : vector<16xi32> to vector<16xf32>
        %mul3A_401 = arith.mulf %bitcast3A_102, %bitcast3A_400 : vector<16xf32>
        %add3A_402 = arith.addf %add3A_385, %mul3A_401 : vector<16xf32>
        %add3A_403 = arith.addf %add3A_59, %add3A_352 : vector<16xf32>
        %mul3A_404 = arith.constant 2.000000e+00 : f32
        %mul3A_405 = vector.broadcast %mul3A_404 : f32 to vector<16xf32>
        %mul3A_406 = arith.mulf %mul3A_405, %add3A_402 : vector<16xf32>
        %sub3A_407 = arith.subf %add3A_403, %mul3A_406 : vector<16xf32>
        %masked_sort3A_408 = arith.constant dense<true> : vector<16xi1>
        %masked_sort3A_409, %masked_sort3A_410, %masked_sort3A_411 = tpu.sort %sub3A_407, %add3A_344 masked %masked_sort3A_408 : (vector<16xf32>, vector<16xi32>, vector<16xi1>) -> (vector<16xi1>, vector<16xf32>, vector<16xi32>)
        %rev3A_412 = arith.constant 15 : i32
        %rev3A_413 = vector.broadcast %rev3A_412 : i32 to vector<16xi32>
        %rev3A_414 = tpu.iota {dimensions = array<i32: 0>} : vector<16xi32>
        %rev3A_415 = arith.subi %rev3A_413, %rev3A_414 : vector<16xi32>
        %rev3A_416 = tpu.dynamic_gather %masked_sort3A_410[%rev3A_415] in [0] : vector<16xf32>, vector<16xi32> -> vector<16xf32>
        %rev3A_417 = arith.constant 15 : i32
        %rev3A_418 = vector.broadcast %rev3A_417 : i32 to vector<16xi32>
        %rev3A_419 = tpu.iota {dimensions = array<i32: 0>} : vector<16xi32>
        %rev3A_420 = arith.subi %rev3A_418, %rev3A_419 : vector<16xi32>
        %rev3A_421 = tpu.dynamic_gather %masked_sort3A_411[%rev3A_420] in [0] : vector<16xi32>, vector<16xi32> -> vector<16xi32>
        %min3A_422 = arith.minimumf %masked_sort3A_336, %rev3A_416 : vector<16xf32>
        %le3A_423 = arith.cmpf ole, %masked_sort3A_336, %rev3A_416 : vector<16xf32>
        %select_n3A_424 = arith.select %le3A_423, %masked_sort3A_337, %rev3A_421 : vector<16xi1>, vector<16xi32>
        %masked_sort3A_425 = arith.constant dense<true> : vector<16xi1>
        %masked_sort3A_426, %masked_sort3A_427, %masked_sort3A_428 = tpu.sort %min3A_422, %select_n3A_424 masked %masked_sort3A_425 : (vector<16xf32>, vector<16xi32>, vector<16xi1>) -> (vector<16xi1>, vector<16xf32>, vector<16xi32>)
        %mul3A_429 = arith.constant 128 : i32
        %mul3A_430 = vector.broadcast %mul3A_429 : i32 to vector<16xi32>
        %mul3A_431 = arith.muli %gather3A_159, %mul3A_430 : vector<16xi32>
        %add3A_432 = arith.constant 48 : i32
        %add3A_433 = vector.broadcast %add3A_432 : i32 to vector<16xi32>
        %add3A_434 = arith.addi %iota3A, %add3A_433 : vector<16xi32>
        %add3A_435 = arith.addi %mul3A_431, %add3A_434 : vector<16xi32>
        %gather3A_436 = tpu.vector_load_idx %arg12[%add3A_435] : memref<16384xf32, #tpu.memory_space<vmem>>[vector<16xi32>], vector<16xf32>,
        %gather3A_437 = tpu.vector_load_idx %arg13[%add3A_435] : memref<16384xf32, #tpu.memory_space<vmem>>[vector<16xi32>], vector<16xf32>,
        %gather3A_438 = tpu.vector_load_idx %arg14[%add3A_435] : memref<16384xf32, #tpu.memory_space<vmem>>[vector<16xi32>], vector<16xf32>,
        %mul3A_439 = arith.mulf %gather3A_436, %gather3A_436 : vector<16xf32>
        %mul3A_440 = arith.mulf %gather3A_437, %gather3A_437 : vector<16xf32>
        %add3A_441 = arith.addf %mul3A_439, %mul3A_440 : vector<16xf32>
        %mul3A_442 = arith.mulf %gather3A_438, %gather3A_438 : vector<16xf32>
        %add3A_443 = arith.addf %add3A_441, %mul3A_442 : vector<16xf32>
        %bitcast3A_444 = vector.bitcast %gather3A_436 : vector<16xf32> to vector<16xi32>
        %add3A_445 = arith.constant 32767 : i32
        %add3A_446 = vector.broadcast %add3A_445 : i32 to vector<16xi32>
        %add3A_447 = arith.addi %bitcast3A_444, %add3A_446 : vector<16xi32>
        %shift_right_logical3A_448 = arith.constant 16 : i32
        %shift_right_logical3A_449 = vector.broadcast %shift_right_logical3A_448 : i32 to vector<16xi32>
        %shift_right_logical3A_450 = arith.shrui %bitcast3A_444, %shift_right_logical3A_449 : vector<16xi32>
        %and3A_451 = arith.constant 1 : i32
        %and3A_452 = vector.broadcast %and3A_451 : i32 to vector<16xi32>
        %and3A_453 = arith.andi %shift_right_logical3A_450, %and3A_452 : vector<16xi32>
        %add3A_454 = arith.addi %add3A_447, %and3A_453 : vector<16xi32>
        %and3A_455 = arith.constant -65536 : i32
        %and3A_456 = vector.broadcast %and3A_455 : i32 to vector<16xi32>
        %and3A_457 = arith.andi %add3A_454, %and3A_456 : vector<16xi32>
        %bitcast3A_458 = vector.bitcast %and3A_457 : vector<16xi32> to vector<16xf32>
        %mul3A_459 = arith.mulf %bitcast3A_72, %bitcast3A_458 : vector<16xf32>
        %bitcast3A_460 = vector.bitcast %gather3A_437 : vector<16xf32> to vector<16xi32>
        %add3A_461 = arith.constant 32767 : i32
        %add3A_462 = vector.broadcast %add3A_461 : i32 to vector<16xi32>
        %add3A_463 = arith.addi %bitcast3A_460, %add3A_462 : vector<16xi32>
        %shift_right_logical3A_464 = arith.constant 16 : i32
        %shift_right_logical3A_465 = vector.broadcast %shift_right_logical3A_464 : i32 to vector<16xi32>
        %shift_right_logical3A_466 = arith.shrui %bitcast3A_460, %shift_right_logical3A_465 : vector<16xi32>
        %and3A_467 = arith.constant 1 : i32
        %and3A_468 = vector.broadcast %and3A_467 : i32 to vector<16xi32>
        %and3A_469 = arith.andi %shift_right_logical3A_466, %and3A_468 : vector<16xi32>
        %add3A_470 = arith.addi %add3A_463, %and3A_469 : vector<16xi32>
        %and3A_471 = arith.constant -65536 : i32
        %and3A_472 = vector.broadcast %and3A_471 : i32 to vector<16xi32>
        %and3A_473 = arith.andi %add3A_470, %and3A_472 : vector<16xi32>
        %bitcast3A_474 = vector.bitcast %and3A_473 : vector<16xi32> to vector<16xf32>
        %mul3A_475 = arith.mulf %bitcast3A_87, %bitcast3A_474 : vector<16xf32>
        %add3A_476 = arith.addf %mul3A_459, %mul3A_475 : vector<16xf32>
        %bitcast3A_477 = vector.bitcast %gather3A_438 : vector<16xf32> to vector<16xi32>
        %add3A_478 = arith.constant 32767 : i32
        %add3A_479 = vector.broadcast %add3A_478 : i32 to vector<16xi32>
        %add3A_480 = arith.addi %bitcast3A_477, %add3A_479 : vector<16xi32>
        %shift_right_logical3A_481 = arith.constant 16 : i32
        %shift_right_logical3A_482 = vector.broadcast %shift_right_logical3A_481 : i32 to vector<16xi32>
        %shift_right_logical3A_483 = arith.shrui %bitcast3A_477, %shift_right_logical3A_482 : vector<16xi32>
        %and3A_484 = arith.constant 1 : i32
        %and3A_485 = vector.broadcast %and3A_484 : i32 to vector<16xi32>
        %and3A_486 = arith.andi %shift_right_logical3A_483, %and3A_485 : vector<16xi32>
        %add3A_487 = arith.addi %add3A_480, %and3A_486 : vector<16xi32>
        %and3A_488 = arith.constant -65536 : i32
        %and3A_489 = vector.broadcast %and3A_488 : i32 to vector<16xi32>
        %and3A_490 = arith.andi %add3A_487, %and3A_489 : vector<16xi32>
        %bitcast3A_491 = vector.bitcast %and3A_490 : vector<16xi32> to vector<16xf32>
        %mul3A_492 = arith.mulf %bitcast3A_102, %bitcast3A_491 : vector<16xf32>
        %add3A_493 = arith.addf %add3A_476, %mul3A_492 : vector<16xf32>
        %add3A_494 = arith.addf %add3A_59, %add3A_443 : vector<16xf32>
        %mul3A_495 = arith.constant 2.000000e+00 : f32
        %mul3A_496 = vector.broadcast %mul3A_495 : f32 to vector<16xf32>
        %mul3A_497 = arith.mulf %mul3A_496, %add3A_493 : vector<16xf32>
        %sub3A_498 = arith.subf %add3A_494, %mul3A_497 : vector<16xf32>
        %masked_sort3A_499 = arith.constant dense<true> : vector<16xi1>
        %masked_sort3A_500, %masked_sort3A_501, %masked_sort3A_502 = tpu.sort %sub3A_498, %add3A_435 masked %masked_sort3A_499 : (vector<16xf32>, vector<16xi32>, vector<16xi1>) -> (vector<16xi1>, vector<16xf32>, vector<16xi32>)
        %rev3A_503 = arith.constant 15 : i32
        %rev3A_504 = vector.broadcast %rev3A_503 : i32 to vector<16xi32>
        %rev3A_505 = tpu.iota {dimensions = array<i32: 0>} : vector<16xi32>
        %rev3A_506 = arith.subi %rev3A_504, %rev3A_505 : vector<16xi32>
        %rev3A_507 = tpu.dynamic_gather %masked_sort3A_501[%rev3A_506] in [0] : vector<16xf32>, vector<16xi32> -> vector<16xf32>
        %rev3A_508 = arith.constant 15 : i32
        %rev3A_509 = vector.broadcast %rev3A_508 : i32 to vector<16xi32>
        %rev3A_510 = tpu.iota {dimensions = array<i32: 0>} : vector<16xi32>
        %rev3A_511 = arith.subi %rev3A_509, %rev3A_510 : vector<16xi32>
        %rev3A_512 = tpu.dynamic_gather %masked_sort3A_502[%rev3A_511] in [0] : vector<16xi32>, vector<16xi32> -> vector<16xi32>
        %min3A_513 = arith.minimumf %masked_sort3A_427, %rev3A_507 : vector<16xf32>
        %le3A_514 = arith.cmpf ole, %masked_sort3A_427, %rev3A_507 : vector<16xf32>
        %select_n3A_515 = arith.select %le3A_514, %masked_sort3A_428, %rev3A_512 : vector<16xi1>, vector<16xi32>
        %masked_sort3A_516 = arith.constant dense<true> : vector<16xi1>
        %masked_sort3A_517, %masked_sort3A_518, %masked_sort3A_519 = tpu.sort %min3A_513, %select_n3A_515 masked %masked_sort3A_516 : (vector<16xf32>, vector<16xi32>, vector<16xi1>) -> (vector<16xi1>, vector<16xf32>, vector<16xi32>)
        %mul3A_520 = arith.constant 128 : i32
        %mul3A_521 = vector.broadcast %mul3A_520 : i32 to vector<16xi32>
        %mul3A_522 = arith.muli %gather3A_159, %mul3A_521 : vector<16xi32>
        %add3A_523 = arith.constant 64 : i32
        %add3A_524 = vector.broadcast %add3A_523 : i32 to vector<16xi32>
        %add3A_525 = arith.addi %iota3A, %add3A_524 : vector<16xi32>
        %add3A_526 = arith.addi %mul3A_522, %add3A_525 : vector<16xi32>
        %gather3A_527 = tpu.vector_load_idx %arg12[%add3A_526] : memref<16384xf32, #tpu.memory_space<vmem>>[vector<16xi32>], vector<16xf32>,
        %gather3A_528 = tpu.vector_load_idx %arg13[%add3A_526] : memref<16384xf32, #tpu.memory_space<vmem>>[vector<16xi32>], vector<16xf32>,
        %gather3A_529 = tpu.vector_load_idx %arg14[%add3A_526] : memref<16384xf32, #tpu.memory_space<vmem>>[vector<16xi32>], vector<16xf32>,
        %mul3A_530 = arith.mulf %gather3A_527, %gather3A_527 : vector<16xf32>
        %mul3A_531 = arith.mulf %gather3A_528, %gather3A_528 : vector<16xf32>
        %add3A_532 = arith.addf %mul3A_530, %mul3A_531 : vector<16xf32>
        %mul3A_533 = arith.mulf %gather3A_529, %gather3A_529 : vector<16xf32>
        %add3A_534 = arith.addf %add3A_532, %mul3A_533 : vector<16xf32>
        %bitcast3A_535 = vector.bitcast %gather3A_527 : vector<16xf32> to vector<16xi32>
        %add3A_536 = arith.constant 32767 : i32
        %add3A_537 = vector.broadcast %add3A_536 : i32 to vector<16xi32>
        %add3A_538 = arith.addi %bitcast3A_535, %add3A_537 : vector<16xi32>
        %shift_right_logical3A_539 = arith.constant 16 : i32
        %shift_right_logical3A_540 = vector.broadcast %shift_right_logical3A_539 : i32 to vector<16xi32>
        %shift_right_logical3A_541 = arith.shrui %bitcast3A_535, %shift_right_logical3A_540 : vector<16xi32>
        %and3A_542 = arith.constant 1 : i32
        %and3A_543 = vector.broadcast %and3A_542 : i32 to vector<16xi32>
        %and3A_544 = arith.andi %shift_right_logical3A_541, %and3A_543 : vector<16xi32>
        %add3A_545 = arith.addi %add3A_538, %and3A_544 : vector<16xi32>
        %and3A_546 = arith.constant -65536 : i32
        %and3A_547 = vector.broadcast %and3A_546 : i32 to vector<16xi32>
        %and3A_548 = arith.andi %add3A_545, %and3A_547 : vector<16xi32>
        %bitcast3A_549 = vector.bitcast %and3A_548 : vector<16xi32> to vector<16xf32>
        %mul3A_550 = arith.mulf %bitcast3A_72, %bitcast3A_549 : vector<16xf32>
        %bitcast3A_551 = vector.bitcast %gather3A_528 : vector<16xf32> to vector<16xi32>
        %add3A_552 = arith.constant 32767 : i32
        %add3A_553 = vector.broadcast %add3A_552 : i32 to vector<16xi32>
        %add3A_554 = arith.addi %bitcast3A_551, %add3A_553 : vector<16xi32>
        %shift_right_logical3A_555 = arith.constant 16 : i32
        %shift_right_logical3A_556 = vector.broadcast %shift_right_logical3A_555 : i32 to vector<16xi32>
        %shift_right_logical3A_557 = arith.shrui %bitcast3A_551, %shift_right_logical3A_556 : vector<16xi32>
        %and3A_558 = arith.constant 1 : i32
        %and3A_559 = vector.broadcast %and3A_558 : i32 to vector<16xi32>
        %and3A_560 = arith.andi %shift_right_logical3A_557, %and3A_559 : vector<16xi32>
        %add3A_561 = arith.addi %add3A_554, %and3A_560 : vector<16xi32>
        %and3A_562 = arith.constant -65536 : i32
        %and3A_563 = vector.broadcast %and3A_562 : i32 to vector<16xi32>
        %and3A_564 = arith.andi %add3A_561, %and3A_563 : vector<16xi32>
        %bitcast3A_565 = vector.bitcast %and3A_564 : vector<16xi32> to vector<16xf32>
        %mul3A_566 = arith.mulf %bitcast3A_87, %bitcast3A_565 : vector<16xf32>
        %add3A_567 = arith.addf %mul3A_550, %mul3A_566 : vector<16xf32>
        %bitcast3A_568 = vector.bitcast %gather3A_529 : vector<16xf32> to vector<16xi32>
        %add3A_569 = arith.constant 32767 : i32
        %add3A_570 = vector.broadcast %add3A_569 : i32 to vector<16xi32>
        %add3A_571 = arith.addi %bitcast3A_568, %add3A_570 : vector<16xi32>
        %shift_right_logical3A_572 = arith.constant 16 : i32
        %shift_right_logical3A_573 = vector.broadcast %shift_right_logical3A_572 : i32 to vector<16xi32>
        %shift_right_logical3A_574 = arith.shrui %bitcast3A_568, %shift_right_logical3A_573 : vector<16xi32>
        %and3A_575 = arith.constant 1 : i32
        %and3A_576 = vector.broadcast %and3A_575 : i32 to vector<16xi32>
        %and3A_577 = arith.andi %shift_right_logical3A_574, %and3A_576 : vector<16xi32>
        %add3A_578 = arith.addi %add3A_571, %and3A_577 : vector<16xi32>
        %and3A_579 = arith.constant -65536 : i32
        %and3A_580 = vector.broadcast %and3A_579 : i32 to vector<16xi32>
        %and3A_581 = arith.andi %add3A_578, %and3A_580 : vector<16xi32>
        %bitcast3A_582 = vector.bitcast %and3A_581 : vector<16xi32> to vector<16xf32>
        %mul3A_583 = arith.mulf %bitcast3A_102, %bitcast3A_582 : vector<16xf32>
        %add3A_584 = arith.addf %add3A_567, %mul3A_583 : vector<16xf32>
        %add3A_585 = arith.addf %add3A_59, %add3A_534 : vector<16xf32>
        %mul3A_586 = arith.constant 2.000000e+00 : f32
        %mul3A_587 = vector.broadcast %mul3A_586 : f32 to vector<16xf32>
        %mul3A_588 = arith.mulf %mul3A_587, %add3A_584 : vector<16xf32>
        %sub3A_589 = arith.subf %add3A_585, %mul3A_588 : vector<16xf32>
        %masked_sort3A_590 = arith.constant dense<true> : vector<16xi1>
        %masked_sort3A_591, %masked_sort3A_592, %masked_sort3A_593 = tpu.sort %sub3A_589, %add3A_526 masked %masked_sort3A_590 : (vector<16xf32>, vector<16xi32>, vector<16xi1>) -> (vector<16xi1>, vector<16xf32>, vector<16xi32>)
        %rev3A_594 = arith.constant 15 : i32
        %rev3A_595 = vector.broadcast %rev3A_594 : i32 to vector<16xi32>
        %rev3A_596 = tpu.iota {dimensions = array<i32: 0>} : vector<16xi32>
        %rev3A_597 = arith.subi %rev3A_595, %rev3A_596 : vector<16xi32>
        %rev3A_598 = tpu.dynamic_gather %masked_sort3A_592[%rev3A_597] in [0] : vector<16xf32>, vector<16xi32> -> vector<16xf32>
        %rev3A_599 = arith.constant 15 : i32
        %rev3A_600 = vector.broadcast %rev3A_599 : i32 to vector<16xi32>
        %rev3A_601 = tpu.iota {dimensions = array<i32: 0>} : vector<16xi32>
        %rev3A_602 = arith.subi %rev3A_600, %rev3A_601 : vector<16xi32>
        %rev3A_603 = tpu.dynamic_gather %masked_sort3A_593[%rev3A_602] in [0] : vector<16xi32>, vector<16xi32> -> vector<16xi32>
        %min3A_604 = arith.minimumf %masked_sort3A_518, %rev3A_598 : vector<16xf32>
        %le3A_605 = arith.cmpf ole, %masked_sort3A_518, %rev3A_598 : vector<16xf32>
        %select_n3A_606 = arith.select %le3A_605, %masked_sort3A_519, %rev3A_603 : vector<16xi1>, vector<16xi32>
        %masked_sort3A_607 = arith.constant dense<true> : vector<16xi1>
        %masked_sort3A_608, %masked_sort3A_609, %masked_sort3A_610 = tpu.sort %min3A_604, %select_n3A_606 masked %masked_sort3A_607 : (vector<16xf32>, vector<16xi32>, vector<16xi1>) -> (vector<16xi1>, vector<16xf32>, vector<16xi32>)
        %mul3A_611 = arith.constant 128 : i32
        %mul3A_612 = vector.broadcast %mul3A_611 : i32 to vector<16xi32>
        %mul3A_613 = arith.muli %gather3A_159, %mul3A_612 : vector<16xi32>
        %add3A_614 = arith.constant 80 : i32
        %add3A_615 = vector.broadcast %add3A_614 : i32 to vector<16xi32>
        %add3A_616 = arith.addi %iota3A, %add3A_615 : vector<16xi32>
        %add3A_617 = arith.addi %mul3A_613, %add3A_616 : vector<16xi32>
        %gather3A_618 = tpu.vector_load_idx %arg12[%add3A_617] : memref<16384xf32, #tpu.memory_space<vmem>>[vector<16xi32>], vector<16xf32>,
        %gather3A_619 = tpu.vector_load_idx %arg13[%add3A_617] : memref<16384xf32, #tpu.memory_space<vmem>>[vector<16xi32>], vector<16xf32>,
        %gather3A_620 = tpu.vector_load_idx %arg14[%add3A_617] : memref<16384xf32, #tpu.memory_space<vmem>>[vector<16xi32>], vector<16xf32>,
        %mul3A_621 = arith.mulf %gather3A_618, %gather3A_618 : vector<16xf32>
        %mul3A_622 = arith.mulf %gather3A_619, %gather3A_619 : vector<16xf32>
        %add3A_623 = arith.addf %mul3A_621, %mul3A_622 : vector<16xf32>
        %mul3A_624 = arith.mulf %gather3A_620, %gather3A_620 : vector<16xf32>
        %add3A_625 = arith.addf %add3A_623, %mul3A_624 : vector<16xf32>
        %bitcast3A_626 = vector.bitcast %gather3A_618 : vector<16xf32> to vector<16xi32>
        %add3A_627 = arith.constant 32767 : i32
        %add3A_628 = vector.broadcast %add3A_627 : i32 to vector<16xi32>
        %add3A_629 = arith.addi %bitcast3A_626, %add3A_628 : vector<16xi32>
        %shift_right_logical3A_630 = arith.constant 16 : i32
        %shift_right_logical3A_631 = vector.broadcast %shift_right_logical3A_630 : i32 to vector<16xi32>
        %shift_right_logical3A_632 = arith.shrui %bitcast3A_626, %shift_right_logical3A_631 : vector<16xi32>
        %and3A_633 = arith.constant 1 : i32
        %and3A_634 = vector.broadcast %and3A_633 : i32 to vector<16xi32>
        %and3A_635 = arith.andi %shift_right_logical3A_632, %and3A_634 : vector<16xi32>
        %add3A_636 = arith.addi %add3A_629, %and3A_635 : vector<16xi32>
        %and3A_637 = arith.constant -65536 : i32
        %and3A_638 = vector.broadcast %and3A_637 : i32 to vector<16xi32>
        %and3A_639 = arith.andi %add3A_636, %and3A_638 : vector<16xi32>
        %bitcast3A_640 = vector.bitcast %and3A_639 : vector<16xi32> to vector<16xf32>
        %mul3A_641 = arith.mulf %bitcast3A_72, %bitcast3A_640 : vector<16xf32>
        %bitcast3A_642 = vector.bitcast %gather3A_619 : vector<16xf32> to vector<16xi32>
        %add3A_643 = arith.constant 32767 : i32
        %add3A_644 = vector.broadcast %add3A_643 : i32 to vector<16xi32>
        %add3A_645 = arith.addi %bitcast3A_642, %add3A_644 : vector<16xi32>
        %shift_right_logical3A_646 = arith.constant 16 : i32
        %shift_right_logical3A_647 = vector.broadcast %shift_right_logical3A_646 : i32 to vector<16xi32>
        %shift_right_logical3A_648 = arith.shrui %bitcast3A_642, %shift_right_logical3A_647 : vector<16xi32>
        %and3A_649 = arith.constant 1 : i32
        %and3A_650 = vector.broadcast %and3A_649 : i32 to vector<16xi32>
        %and3A_651 = arith.andi %shift_right_logical3A_648, %and3A_650 : vector<16xi32>
        %add3A_652 = arith.addi %add3A_645, %and3A_651 : vector<16xi32>
        %and3A_653 = arith.constant -65536 : i32
        %and3A_654 = vector.broadcast %and3A_653 : i32 to vector<16xi32>
        %and3A_655 = arith.andi %add3A_652, %and3A_654 : vector<16xi32>
        %bitcast3A_656 = vector.bitcast %and3A_655 : vector<16xi32> to vector<16xf32>
        %mul3A_657 = arith.mulf %bitcast3A_87, %bitcast3A_656 : vector<16xf32>
        %add3A_658 = arith.addf %mul3A_641, %mul3A_657 : vector<16xf32>
        %bitcast3A_659 = vector.bitcast %gather3A_620 : vector<16xf32> to vector<16xi32>
        %add3A_660 = arith.constant 32767 : i32
        %add3A_661 = vector.broadcast %add3A_660 : i32 to vector<16xi32>
        %add3A_662 = arith.addi %bitcast3A_659, %add3A_661 : vector<16xi32>
        %shift_right_logical3A_663 = arith.constant 16 : i32
        %shift_right_logical3A_664 = vector.broadcast %shift_right_logical3A_663 : i32 to vector<16xi32>
        %shift_right_logical3A_665 = arith.shrui %bitcast3A_659, %shift_right_logical3A_664 : vector<16xi32>
        %and3A_666 = arith.constant 1 : i32
        %and3A_667 = vector.broadcast %and3A_666 : i32 to vector<16xi32>
        %and3A_668 = arith.andi %shift_right_logical3A_665, %and3A_667 : vector<16xi32>
        %add3A_669 = arith.addi %add3A_662, %and3A_668 : vector<16xi32>
        %and3A_670 = arith.constant -65536 : i32
        %and3A_671 = vector.broadcast %and3A_670 : i32 to vector<16xi32>
        %and3A_672 = arith.andi %add3A_669, %and3A_671 : vector<16xi32>
        %bitcast3A_673 = vector.bitcast %and3A_672 : vector<16xi32> to vector<16xf32>
        %mul3A_674 = arith.mulf %bitcast3A_102, %bitcast3A_673 : vector<16xf32>
        %add3A_675 = arith.addf %add3A_658, %mul3A_674 : vector<16xf32>
        %add3A_676 = arith.addf %add3A_59, %add3A_625 : vector<16xf32>
        %mul3A_677 = arith.constant 2.000000e+00 : f32
        %mul3A_678 = vector.broadcast %mul3A_677 : f32 to vector<16xf32>
        %mul3A_679 = arith.mulf %mul3A_678, %add3A_675 : vector<16xf32>
        %sub3A_680 = arith.subf %add3A_676, %mul3A_679 : vector<16xf32>
        %masked_sort3A_681 = arith.constant dense<true> : vector<16xi1>
        %masked_sort3A_682, %masked_sort3A_683, %masked_sort3A_684 = tpu.sort %sub3A_680, %add3A_617 masked %masked_sort3A_681 : (vector<16xf32>, vector<16xi32>, vector<16xi1>) -> (vector<16xi1>, vector<16xf32>, vector<16xi32>)
        %rev3A_685 = arith.constant 15 : i32
        %rev3A_686 = vector.broadcast %rev3A_685 : i32 to vector<16xi32>
        %rev3A_687 = tpu.iota {dimensions = array<i32: 0>} : vector<16xi32>
        %rev3A_688 = arith.subi %rev3A_686, %rev3A_687 : vector<16xi32>
        %rev3A_689 = tpu.dynamic_gather %masked_sort3A_683[%rev3A_688] in [0] : vector<16xf32>, vector<16xi32> -> vector<16xf32>
        %rev3A_690 = arith.constant 15 : i32
        %rev3A_691 = vector.broadcast %rev3A_690 : i32 to vector<16xi32>
        %rev3A_692 = tpu.iota {dimensions = array<i32: 0>} : vector<16xi32>
        %rev3A_693 = arith.subi %rev3A_691, %rev3A_692 : vector<16xi32>
        %rev3A_694 = tpu.dynamic_gather %masked_sort3A_684[%rev3A_693] in [0] : vector<16xi32>, vector<16xi32> -> vector<16xi32>
        %min3A_695 = arith.minimumf %masked_sort3A_609, %rev3A_689 : vector<16xf32>
        %le3A_696 = arith.cmpf ole, %masked_sort3A_609, %rev3A_689 : vector<16xf32>
        %select_n3A_697 = arith.select %le3A_696, %masked_sort3A_610, %rev3A_694 : vector<16xi1>, vector<16xi32>
        %masked_sort3A_698 = arith.constant dense<true> : vector<16xi1>
        %masked_sort3A_699, %masked_sort3A_700, %masked_sort3A_701 = tpu.sort %min3A_695, %select_n3A_697 masked %masked_sort3A_698 : (vector<16xf32>, vector<16xi32>, vector<16xi1>) -> (vector<16xi1>, vector<16xf32>, vector<16xi32>)
        %mul3A_702 = arith.constant 128 : i32
        %mul3A_703 = vector.broadcast %mul3A_702 : i32 to vector<16xi32>
        %mul3A_704 = arith.muli %gather3A_159, %mul3A_703 : vector<16xi32>
        %add3A_705 = arith.constant 96 : i32
        %add3A_706 = vector.broadcast %add3A_705 : i32 to vector<16xi32>
        %add3A_707 = arith.addi %iota3A, %add3A_706 : vector<16xi32>
        %add3A_708 = arith.addi %mul3A_704, %add3A_707 : vector<16xi32>
        %gather3A_709 = tpu.vector_load_idx %arg12[%add3A_708] : memref<16384xf32, #tpu.memory_space<vmem>>[vector<16xi32>], vector<16xf32>,
        %gather3A_710 = tpu.vector_load_idx %arg13[%add3A_708] : memref<16384xf32, #tpu.memory_space<vmem>>[vector<16xi32>], vector<16xf32>,
        %gather3A_711 = tpu.vector_load_idx %arg14[%add3A_708] : memref<16384xf32, #tpu.memory_space<vmem>>[vector<16xi32>], vector<16xf32>,
        %mul3A_712 = arith.mulf %gather3A_709, %gather3A_709 : vector<16xf32>
        %mul3A_713 = arith.mulf %gather3A_710, %gather3A_710 : vector<16xf32>
        %add3A_714 = arith.addf %mul3A_712, %mul3A_713 : vector<16xf32>
        %mul3A_715 = arith.mulf %gather3A_711, %gather3A_711 : vector<16xf32>
        %add3A_716 = arith.addf %add3A_714, %mul3A_715 : vector<16xf32>
        %bitcast3A_717 = vector.bitcast %gather3A_709 : vector<16xf32> to vector<16xi32>
        %add3A_718 = arith.constant 32767 : i32
        %add3A_719 = vector.broadcast %add3A_718 : i32 to vector<16xi32>
        %add3A_720 = arith.addi %bitcast3A_717, %add3A_719 : vector<16xi32>
        %shift_right_logical3A_721 = arith.constant 16 : i32
        %shift_right_logical3A_722 = vector.broadcast %shift_right_logical3A_721 : i32 to vector<16xi32>
        %shift_right_logical3A_723 = arith.shrui %bitcast3A_717, %shift_right_logical3A_722 : vector<16xi32>
        %and3A_724 = arith.constant 1 : i32
        %and3A_725 = vector.broadcast %and3A_724 : i32 to vector<16xi32>
        %and3A_726 = arith.andi %shift_right_logical3A_723, %and3A_725 : vector<16xi32>
        %add3A_727 = arith.addi %add3A_720, %and3A_726 : vector<16xi32>
        %and3A_728 = arith.constant -65536 : i32
        %and3A_729 = vector.broadcast %and3A_728 : i32 to vector<16xi32>
        %and3A_730 = arith.andi %add3A_727, %and3A_729 : vector<16xi32>
        %bitcast3A_731 = vector.bitcast %and3A_730 : vector<16xi32> to vector<16xf32>
        %mul3A_732 = arith.mulf %bitcast3A_72, %bitcast3A_731 : vector<16xf32>
        %bitcast3A_733 = vector.bitcast %gather3A_710 : vector<16xf32> to vector<16xi32>
        %add3A_734 = arith.constant 32767 : i32
        %add3A_735 = vector.broadcast %add3A_734 : i32 to vector<16xi32>
        %add3A_736 = arith.addi %bitcast3A_733, %add3A_735 : vector<16xi32>
        %shift_right_logical3A_737 = arith.constant 16 : i32
        %shift_right_logical3A_738 = vector.broadcast %shift_right_logical3A_737 : i32 to vector<16xi32>
        %shift_right_logical3A_739 = arith.shrui %bitcast3A_733, %shift_right_logical3A_738 : vector<16xi32>
        %and3A_740 = arith.constant 1 : i32
        %and3A_741 = vector.broadcast %and3A_740 : i32 to vector<16xi32>
        %and3A_742 = arith.andi %shift_right_logical3A_739, %and3A_741 : vector<16xi32>
        %add3A_743 = arith.addi %add3A_736, %and3A_742 : vector<16xi32>
        %and3A_744 = arith.constant -65536 : i32
        %and3A_745 = vector.broadcast %and3A_744 : i32 to vector<16xi32>
        %and3A_746 = arith.andi %add3A_743, %and3A_745 : vector<16xi32>
        %bitcast3A_747 = vector.bitcast %and3A_746 : vector<16xi32> to vector<16xf32>
        %mul3A_748 = arith.mulf %bitcast3A_87, %bitcast3A_747 : vector<16xf32>
        %add3A_749 = arith.addf %mul3A_732, %mul3A_748 : vector<16xf32>
        %bitcast3A_750 = vector.bitcast %gather3A_711 : vector<16xf32> to vector<16xi32>
        %add3A_751 = arith.constant 32767 : i32
        %add3A_752 = vector.broadcast %add3A_751 : i32 to vector<16xi32>
        %add3A_753 = arith.addi %bitcast3A_750, %add3A_752 : vector<16xi32>
        %shift_right_logical3A_754 = arith.constant 16 : i32
        %shift_right_logical3A_755 = vector.broadcast %shift_right_logical3A_754 : i32 to vector<16xi32>
        %shift_right_logical3A_756 = arith.shrui %bitcast3A_750, %shift_right_logical3A_755 : vector<16xi32>
        %and3A_757 = arith.constant 1 : i32
        %and3A_758 = vector.broadcast %and3A_757 : i32 to vector<16xi32>
        %and3A_759 = arith.andi %shift_right_logical3A_756, %and3A_758 : vector<16xi32>
        %add3A_760 = arith.addi %add3A_753, %and3A_759 : vector<16xi32>
        %and3A_761 = arith.constant -65536 : i32
        %and3A_762 = vector.broadcast %and3A_761 : i32 to vector<16xi32>
        %and3A_763 = arith.andi %add3A_760, %and3A_762 : vector<16xi32>
        %bitcast3A_764 = vector.bitcast %and3A_763 : vector<16xi32> to vector<16xf32>
        %mul3A_765 = arith.mulf %bitcast3A_102, %bitcast3A_764 : vector<16xf32>
        %add3A_766 = arith.addf %add3A_749, %mul3A_765 : vector<16xf32>
        %add3A_767 = arith.addf %add3A_59, %add3A_716 : vector<16xf32>
        %mul3A_768 = arith.constant 2.000000e+00 : f32
        %mul3A_769 = vector.broadcast %mul3A_768 : f32 to vector<16xf32>
        %mul3A_770 = arith.mulf %mul3A_769, %add3A_766 : vector<16xf32>
        %sub3A_771 = arith.subf %add3A_767, %mul3A_770 : vector<16xf32>
        %masked_sort3A_772 = arith.constant dense<true> : vector<16xi1>
        %masked_sort3A_773, %masked_sort3A_774, %masked_sort3A_775 = tpu.sort %sub3A_771, %add3A_708 masked %masked_sort3A_772 : (vector<16xf32>, vector<16xi32>, vector<16xi1>) -> (vector<16xi1>, vector<16xf32>, vector<16xi32>)
        %rev3A_776 = arith.constant 15 : i32
        %rev3A_777 = vector.broadcast %rev3A_776 : i32 to vector<16xi32>
        %rev3A_778 = tpu.iota {dimensions = array<i32: 0>} : vector<16xi32>
        %rev3A_779 = arith.subi %rev3A_777, %rev3A_778 : vector<16xi32>
        %rev3A_780 = tpu.dynamic_gather %masked_sort3A_774[%rev3A_779] in [0] : vector<16xf32>, vector<16xi32> -> vector<16xf32>
        %rev3A_781 = arith.constant 15 : i32
        %rev3A_782 = vector.broadcast %rev3A_781 : i32 to vector<16xi32>
        %rev3A_783 = tpu.iota {dimensions = array<i32: 0>} : vector<16xi32>
        %rev3A_784 = arith.subi %rev3A_782, %rev3A_783 : vector<16xi32>
        %rev3A_785 = tpu.dynamic_gather %masked_sort3A_775[%rev3A_784] in [0] : vector<16xi32>, vector<16xi32> -> vector<16xi32>
        %min3A_786 = arith.minimumf %masked_sort3A_700, %rev3A_780 : vector<16xf32>
        %le3A_787 = arith.cmpf ole, %masked_sort3A_700, %rev3A_780 : vector<16xf32>
        %select_n3A_788 = arith.select %le3A_787, %masked_sort3A_701, %rev3A_785 : vector<16xi1>, vector<16xi32>
        %masked_sort3A_789 = arith.constant dense<true> : vector<16xi1>
        %masked_sort3A_790, %masked_sort3A_791, %masked_sort3A_792 = tpu.sort %min3A_786, %select_n3A_788 masked %masked_sort3A_789 : (vector<16xf32>, vector<16xi32>, vector<16xi1>) -> (vector<16xi1>, vector<16xf32>, vector<16xi32>)
        %mul3A_793 = arith.constant 128 : i32
        %mul3A_794 = vector.broadcast %mul3A_793 : i32 to vector<16xi32>
        %mul3A_795 = arith.muli %gather3A_159, %mul3A_794 : vector<16xi32>
        %add3A_796 = arith.constant 112 : i32
        %add3A_797 = vector.broadcast %add3A_796 : i32 to vector<16xi32>
        %add3A_798 = arith.addi %iota3A, %add3A_797 : vector<16xi32>
        %add3A_799 = arith.addi %mul3A_795, %add3A_798 : vector<16xi32>
        %gather3A_800 = tpu.vector_load_idx %arg12[%add3A_799] : memref<16384xf32, #tpu.memory_space<vmem>>[vector<16xi32>], vector<16xf32>,
        %gather3A_801 = tpu.vector_load_idx %arg13[%add3A_799] : memref<16384xf32, #tpu.memory_space<vmem>>[vector<16xi32>], vector<16xf32>,
        %gather3A_802 = tpu.vector_load_idx %arg14[%add3A_799] : memref<16384xf32, #tpu.memory_space<vmem>>[vector<16xi32>], vector<16xf32>,
        %mul3A_803 = arith.mulf %gather3A_800, %gather3A_800 : vector<16xf32>
        %mul3A_804 = arith.mulf %gather3A_801, %gather3A_801 : vector<16xf32>
        %add3A_805 = arith.addf %mul3A_803, %mul3A_804 : vector<16xf32>
        %mul3A_806 = arith.mulf %gather3A_802, %gather3A_802 : vector<16xf32>
        %add3A_807 = arith.addf %add3A_805, %mul3A_806 : vector<16xf32>
        %bitcast3A_808 = vector.bitcast %gather3A_800 : vector<16xf32> to vector<16xi32>
        %add3A_809 = arith.constant 32767 : i32
        %add3A_810 = vector.broadcast %add3A_809 : i32 to vector<16xi32>
        %add3A_811 = arith.addi %bitcast3A_808, %add3A_810 : vector<16xi32>
        %shift_right_logical3A_812 = arith.constant 16 : i32
        %shift_right_logical3A_813 = vector.broadcast %shift_right_logical3A_812 : i32 to vector<16xi32>
        %shift_right_logical3A_814 = arith.shrui %bitcast3A_808, %shift_right_logical3A_813 : vector<16xi32>
        %and3A_815 = arith.constant 1 : i32
        %and3A_816 = vector.broadcast %and3A_815 : i32 to vector<16xi32>
        %and3A_817 = arith.andi %shift_right_logical3A_814, %and3A_816 : vector<16xi32>
        %add3A_818 = arith.addi %add3A_811, %and3A_817 : vector<16xi32>
        %and3A_819 = arith.constant -65536 : i32
        %and3A_820 = vector.broadcast %and3A_819 : i32 to vector<16xi32>
        %and3A_821 = arith.andi %add3A_818, %and3A_820 : vector<16xi32>
        %bitcast3A_822 = vector.bitcast %and3A_821 : vector<16xi32> to vector<16xf32>
        %mul3A_823 = arith.mulf %bitcast3A_72, %bitcast3A_822 : vector<16xf32>
        %bitcast3A_824 = vector.bitcast %gather3A_801 : vector<16xf32> to vector<16xi32>
        %add3A_825 = arith.constant 32767 : i32
        %add3A_826 = vector.broadcast %add3A_825 : i32 to vector<16xi32>
        %add3A_827 = arith.addi %bitcast3A_824, %add3A_826 : vector<16xi32>
        %shift_right_logical3A_828 = arith.constant 16 : i32
        %shift_right_logical3A_829 = vector.broadcast %shift_right_logical3A_828 : i32 to vector<16xi32>
        %shift_right_logical3A_830 = arith.shrui %bitcast3A_824, %shift_right_logical3A_829 : vector<16xi32>
        %and3A_831 = arith.constant 1 : i32
        %and3A_832 = vector.broadcast %and3A_831 : i32 to vector<16xi32>
        %and3A_833 = arith.andi %shift_right_logical3A_830, %and3A_832 : vector<16xi32>
        %add3A_834 = arith.addi %add3A_827, %and3A_833 : vector<16xi32>
        %and3A_835 = arith.constant -65536 : i32
        %and3A_836 = vector.broadcast %and3A_835 : i32 to vector<16xi32>
        %and3A_837 = arith.andi %add3A_834, %and3A_836 : vector<16xi32>
        %bitcast3A_838 = vector.bitcast %and3A_837 : vector<16xi32> to vector<16xf32>
        %mul3A_839 = arith.mulf %bitcast3A_87, %bitcast3A_838 : vector<16xf32>
        %add3A_840 = arith.addf %mul3A_823, %mul3A_839 : vector<16xf32>
        %bitcast3A_841 = vector.bitcast %gather3A_802 : vector<16xf32> to vector<16xi32>
        %add3A_842 = arith.constant 32767 : i32
        %add3A_843 = vector.broadcast %add3A_842 : i32 to vector<16xi32>
        %add3A_844 = arith.addi %bitcast3A_841, %add3A_843 : vector<16xi32>
        %shift_right_logical3A_845 = arith.constant 16 : i32
        %shift_right_logical3A_846 = vector.broadcast %shift_right_logical3A_845 : i32 to vector<16xi32>
        %shift_right_logical3A_847 = arith.shrui %bitcast3A_841, %shift_right_logical3A_846 : vector<16xi32>
        %and3A_848 = arith.constant 1 : i32
        %and3A_849 = vector.broadcast %and3A_848 : i32 to vector<16xi32>
        %and3A_850 = arith.andi %shift_right_logical3A_847, %and3A_849 : vector<16xi32>
        %add3A_851 = arith.addi %add3A_844, %and3A_850 : vector<16xi32>
        %and3A_852 = arith.constant -65536 : i32
        %and3A_853 = vector.broadcast %and3A_852 : i32 to vector<16xi32>
        %and3A_854 = arith.andi %add3A_851, %and3A_853 : vector<16xi32>
        %bitcast3A_855 = vector.bitcast %and3A_854 : vector<16xi32> to vector<16xf32>
        %mul3A_856 = arith.mulf %bitcast3A_102, %bitcast3A_855 : vector<16xf32>
        %add3A_857 = arith.addf %add3A_840, %mul3A_856 : vector<16xf32>
        %add3A_858 = arith.addf %add3A_59, %add3A_807 : vector<16xf32>
        %mul3A_859 = arith.constant 2.000000e+00 : f32
        %mul3A_860 = vector.broadcast %mul3A_859 : f32 to vector<16xf32>
        %mul3A_861 = arith.mulf %mul3A_860, %add3A_857 : vector<16xf32>
        %sub3A_862 = arith.subf %add3A_858, %mul3A_861 : vector<16xf32>
        %masked_sort3A_863 = arith.constant dense<true> : vector<16xi1>
        %masked_sort3A_864, %masked_sort3A_865, %masked_sort3A_866 = tpu.sort %sub3A_862, %add3A_799 masked %masked_sort3A_863 : (vector<16xf32>, vector<16xi32>, vector<16xi1>) -> (vector<16xi1>, vector<16xf32>, vector<16xi32>)
        %rev3A_867 = arith.constant 15 : i32
        %rev3A_868 = vector.broadcast %rev3A_867 : i32 to vector<16xi32>
        %rev3A_869 = tpu.iota {dimensions = array<i32: 0>} : vector<16xi32>
        %rev3A_870 = arith.subi %rev3A_868, %rev3A_869 : vector<16xi32>
        %rev3A_871 = tpu.dynamic_gather %masked_sort3A_865[%rev3A_870] in [0] : vector<16xf32>, vector<16xi32> -> vector<16xf32>
        %rev3A_872 = arith.constant 15 : i32
        %rev3A_873 = vector.broadcast %rev3A_872 : i32 to vector<16xi32>
        %rev3A_874 = tpu.iota {dimensions = array<i32: 0>} : vector<16xi32>
        %rev3A_875 = arith.subi %rev3A_873, %rev3A_874 : vector<16xi32>
        %rev3A_876 = tpu.dynamic_gather %masked_sort3A_866[%rev3A_875] in [0] : vector<16xi32>, vector<16xi32> -> vector<16xi32>
        %min3A_877 = arith.minimumf %masked_sort3A_791, %rev3A_871 : vector<16xf32>
        %le3A_878 = arith.cmpf ole, %masked_sort3A_791, %rev3A_871 : vector<16xf32>
        %select_n3A_879 = arith.select %le3A_878, %masked_sort3A_792, %rev3A_876 : vector<16xi1>, vector<16xi32>
        %masked_sort3A_880 = arith.constant dense<true> : vector<16xi1>
        %masked_sort3A_881, %masked_sort3A_882, %masked_sort3A_883 = tpu.sort %min3A_877, %select_n3A_879 masked %masked_sort3A_880 : (vector<16xf32>, vector<16xi32>, vector<16xi1>) -> (vector<16xi1>, vector<16xf32>, vector<16xi32>)
        scf.yield %masked_sort3A_882, %masked_sort3A_883 : vector<16xf32>, vector<16xi32>
      }
      %scan3A_110 = arith.constant 16 : i32
      %add3A_111 = vector.broadcast %mul3A_46 : i32 to vector<16xi32>
      %add3A_112 = arith.addi %broadcast_in_dim3A_29, %add3A_111 : vector<16xi32>
      %add3A_113 = arith.addi %add3A_112, %iota3A : vector<16xi32>
      %gather3A_114 = tpu.vector_load_idx %arg12[%scan3A_109#1] : memref<16384xf32, #tpu.memory_space<vmem>>[vector<16xi32>], vector<16xf32>,
      %gather3A_115 = tpu.vector_load_idx %arg13[%scan3A_109#1] : memref<16384xf32, #tpu.memory_space<vmem>>[vector<16xi32>], vector<16xf32>,
      %gather3A_116 = tpu.vector_load_idx %arg14[%scan3A_109#1] : memref<16384xf32, #tpu.memory_space<vmem>>[vector<16xi32>], vector<16xf32>,
      tpu.vector_store_idx %arg20[%add3A_113, %broadcast_in_dim3A_29], %gather3A_114 : memref<512x8xf32, #tpu.memory_space<vmem>>[vector<16xi32>, vector<16xi32>], vector<16xf32>,
      %add3A_117 = arith.constant 1 : i32
      %add3A_118 = vector.broadcast %add3A_117 : i32 to vector<16xi32>
      %add3A_119 = arith.addi %broadcast_in_dim3A_29, %add3A_118 : vector<16xi32>
      tpu.vector_store_idx %arg20[%add3A_113, %add3A_119], %gather3A_115 : memref<512x8xf32, #tpu.memory_space<vmem>>[vector<16xi32>, vector<16xi32>], vector<16xf32>,
      %add3A_120 = arith.constant 2 : i32
      %add3A_121 = vector.broadcast %add3A_120 : i32 to vector<16xi32>
      %add3A_122 = arith.addi %broadcast_in_dim3A_29, %add3A_121 : vector<16xi32>
      tpu.vector_store_idx %arg20[%add3A_113, %add3A_122], %gather3A_116 : memref<512x8xf32, #tpu.memory_space<vmem>>[vector<16xi32>, vector<16xi32>], vector<16xf32>,
      %add3A_123 = arith.constant 3 : i32
      %add3A_124 = vector.broadcast %add3A_123 : i32 to vector<16xi32>
      %add3A_125 = arith.addi %broadcast_in_dim3A_29, %add3A_124 : vector<16xi32>
      %broadcast_in_dim3A_126 = arith.constant 0.000000e+00 : f32
      %broadcast_in_dim3A_127 = vector.broadcast %broadcast_in_dim3A_126 : f32 to vector<16xf32>
      tpu.vector_store_idx %arg20[%add3A_113, %add3A_125], %broadcast_in_dim3A_127 : memref<512x8xf32, #tpu.memory_space<vmem>>[vector<16xi32>, vector<16xi32>], vector<16xf32>,
      %add3A_128 = arith.constant 4 : i32
      %add3A_129 = vector.broadcast %add3A_128 : i32 to vector<16xi32>
      %add3A_130 = arith.addi %broadcast_in_dim3A_29, %add3A_129 : vector<16xi32>
      %broadcast_in_dim3A_131 = arith.constant 0.000000e+00 : f32
      %broadcast_in_dim3A_132 = vector.broadcast %broadcast_in_dim3A_131 : f32 to vector<16xf32>
      tpu.vector_store_idx %arg20[%add3A_113, %add3A_130], %broadcast_in_dim3A_132 : memref<512x8xf32, #tpu.memory_space<vmem>>[vector<16xi32>, vector<16xi32>], vector<16xf32>,
      %add3A_133 = arith.constant 5 : i32
      %add3A_134 = vector.broadcast %add3A_133 : i32 to vector<16xi32>
      %add3A_135 = arith.addi %broadcast_in_dim3A_29, %add3A_134 : vector<16xi32>
      %broadcast_in_dim3A_136 = arith.constant 0.000000e+00 : f32
      %broadcast_in_dim3A_137 = vector.broadcast %broadcast_in_dim3A_136 : f32 to vector<16xf32>
      tpu.vector_store_idx %arg20[%add3A_113, %add3A_135], %broadcast_in_dim3A_137 : memref<512x8xf32, #tpu.memory_space<vmem>>[vector<16xi32>, vector<16xi32>], vector<16xf32>,
      %add3A_138 = arith.constant 6 : i32
      %add3A_139 = vector.broadcast %add3A_138 : i32 to vector<16xi32>
      %add3A_140 = arith.addi %broadcast_in_dim3A_29, %add3A_139 : vector<16xi32>
      %broadcast_in_dim3A_141 = arith.constant 0.000000e+00 : f32
      %broadcast_in_dim3A_142 = vector.broadcast %broadcast_in_dim3A_141 : f32 to vector<16xf32>
      tpu.vector_store_idx %arg20[%add3A_113, %add3A_140], %broadcast_in_dim3A_142 : memref<512x8xf32, #tpu.memory_space<vmem>>[vector<16xi32>, vector<16xi32>], vector<16xf32>,
      %add3A_143 = arith.constant 7 : i32
      %add3A_144 = vector.broadcast %add3A_143 : i32 to vector<16xi32>
      %add3A_145 = arith.addi %broadcast_in_dim3A_29, %add3A_144 : vector<16xi32>
      %broadcast_in_dim3A_146 = arith.constant 0.000000e+00 : f32
      %broadcast_in_dim3A_147 = vector.broadcast %broadcast_in_dim3A_146 : f32 to vector<16xf32>
      tpu.vector_store_idx %arg20[%add3A_113, %add3A_145], %broadcast_in_dim3A_147 : memref<512x8xf32, #tpu.memory_space<vmem>>[vector<16xi32>, vector<16xi32>], vector<16xf32>,
      %mul3A_148 = arith.constant 16384 : i32
      %mul3A_149 = arith.muli %select_n3A, %mul3A_148 : i32
      %add3A_150 = vector.broadcast %mul3A_149 : i32 to vector<16xi32>
      %add3A_151 = arith.addi %scan3A_109#1, %add3A_150 : vector<16xi32>
      tpu.vector_store_idx %arg19[%add3A_113], %add3A_151 : memref<512xi32, #tpu.memory_space<vmem>>[vector<16xi32>], vector<16xi32>,
      %scan3A_152 = arith.constant 0 : i32
      scf.yield %scan3A_152 : i32
    }
    %scan3A_35 = arith.constant 32 : i32
    %scan3A_36 = arith.constant 0 : i32
    %scan3A_37 = arith.constant 0 : i32
    %scan3A_38 = arith.constant 16 : i32
    %scan3A_39 = arith.addi %scan3A_37, %scan3A_38 : i32
    %scan3A_40 = arith.constant 1 : i32
    %scan3A_41 = scf.for %scan3A_43 = %scan3A_37 to %scan3A_39 step %scan3A_40 iter_args(%scan3A_44 = %scan3A_36) -> (i32)  : i32 {
      %mul3A_45 = arith.constant 32 : i32
      %mul3A_46 = arith.muli %scan3A_43, %mul3A_45 : i32
      %dma_start3A = tpu.memref_slice %arg19[%mul3A_46] : memref<512xi32, #tpu.memory_space<vmem>> -> memref<32xi32, #tpu.memory_space<vmem>>
      %dma_start3A_47 = arith.constant 0 : i32
      %dma_start3A_48 = arith.constant 0 : i32
      %dma_start3A_49 = tpu.memref_slice %arg2[%dma_start3A_47, %dma_start3A_48] : memref<65536x256xf32, #tpu.memory_space<hbm>> -> memref<65536x256xf32, #tpu.memory_space<hbm>>
      tpu.enqueue_indirect_dma source(%dma_start3A_49 : memref<65536x256xf32, #tpu.memory_space<hbm>>) target(%arg21 : memref<32x256xf32, #tpu.memory_space<vmem>>) offsets(%dma_start3A : memref<32xi32, #tpu.memory_space<vmem>>) semaphore(%arg22 : memref<!tpu.dma_semaphore, #tpu.memory_space<semaphore_mem>>)
      %dma_wait3A = tpu.memref_slice %arg19[%mul3A_46] : memref<512xi32, #tpu.memory_space<vmem>> -> memref<32xi32, #tpu.memory_space<vmem>>
      %dma_wait3A_50 = arith.constant 0 : i32
      %dma_wait3A_51 = arith.constant 0 : i32
      %dma_wait3A_52 = tpu.memref_slice %arg2[%dma_wait3A_50, %dma_wait3A_51] : memref<65536x256xf32, #tpu.memory_space<hbm>> -> memref<65536x256xf32, #tpu.memory_space<hbm>>
      tpu.wait_indirect_dma semaphore(%arg22 : memref<!tpu.dma_semaphore, #tpu.memory_space<semaphore_mem>>) src(%dma_wait3A_52 : memref<65536x256xf32, #tpu.memory_space<hbm>>) dst(%arg21 : memref<32x256xf32, #tpu.memory_space<vmem>>)
      %mul3A_53 = arith.constant 32 : i32
      %mul3A_54 = arith.muli %scan3A_43, %mul3A_53 : i32
      %add3A_55 = arith.addi %mul3A_20, %mul3A_54 : i32
      "tpu.region"() ({
        %run_scoped3A = tpu.sem_alloc : memref<!tpu.dma_semaphore, #tpu.memory_space<semaphore_mem>>
        %dma_start3A_57 = arith.constant 0 : i32
        %dma_start3A_58 = tpu.memref_slice %arg10[%add3A_55, %dma_start3A_57] : memref<16384x256xf32, #tpu.memory_space<hbm>> -> memref<32x256xf32, #tpu.memory_space<hbm>>
        %dma_start3A_59 = arith.constant 0 : i32
        %dma_start3A_60 = tpu.memref_slice %arg10[%add3A_55, %dma_start3A_59] : memref<16384x256xf32, #tpu.memory_space<hbm>> -> memref<32x256xf32, #tpu.memory_space<hbm>>
        tpu.enqueue_dma source(%arg21 : memref<32x256xf32, #tpu.memory_space<vmem>>) target(%dma_start3A_60 : memref<32x256xf32, #tpu.memory_space<hbm>>) target_semaphore(%run_scoped3A : memref<!tpu.dma_semaphore, #tpu.memory_space<semaphore_mem>>)
        %dma_wait3A_61 = arith.constant 0 : i32
        %dma_wait3A_62 = tpu.memref_slice %arg10[%add3A_55, %dma_wait3A_61] : memref<16384x256xf32, #tpu.memory_space<hbm>> -> memref<32x256xf32, #tpu.memory_space<hbm>>
        %dma_wait3A_63 = arith.constant 0 : i32
        %dma_wait3A_64 = tpu.memref_slice %arg10[%add3A_55, %dma_wait3A_63] : memref<16384x256xf32, #tpu.memory_space<hbm>> -> memref<32x256xf32, #tpu.memory_space<hbm>>
        tpu.wait_dma2 semaphore(%run_scoped3A : memref<!tpu.dma_semaphore, #tpu.memory_space<semaphore_mem>>) src(%arg21 : memref<32x256xf32, #tpu.memory_space<vmem>>) dst(%dma_wait3A_64 : memref<32x256xf32, #tpu.memory_space<hbm>>)
        tpu.yield
      }) : () -> ()
      %scan3A_56 = arith.constant 0 : i32
      scf.yield %scan3A_56 : i32
    }
    %scan3A_42 = arith.constant 16 : i32
    "tpu.region"() ({
      %run_scoped3A = tpu.sem_alloc : memref<!tpu.dma_semaphore, #tpu.memory_space<semaphore_mem>>
      %dma_start3A = arith.constant 0 : i32
      %dma_start3A_43 = tpu.memref_slice %arg11[%mul3A_20, %dma_start3A] : memref<16384x8xf32, #tpu.memory_space<hbm>> -> memref<512x8xf32, #tpu.memory_space<hbm>>
      %dma_start3A_44 = arith.constant 0 : i32
      %dma_start3A_45 = tpu.memref_slice %arg11[%mul3A_20, %dma_start3A_44] : memref<16384x8xf32, #tpu.memory_space<hbm>> -> memref<512x8xf32, #tpu.memory_space<hbm>>
      tpu.enqueue_dma source(%arg20 : memref<512x8xf32, #tpu.memory_space<vmem>>) target(%dma_start3A_45 : memref<512x8xf32, #tpu.memory_space<hbm>>) target_semaphore(%run_scoped3A : memref<!tpu.dma_semaphore, #tpu.memory_space<semaphore_mem>>)
      %dma_wait3A = arith.constant 0 : i32
      %dma_wait3A_46 = tpu.memref_slice %arg11[%mul3A_20, %dma_wait3A] : memref<16384x8xf32, #tpu.memory_space<hbm>> -> memref<512x8xf32, #tpu.memory_space<hbm>>
      %dma_wait3A_47 = arith.constant 0 : i32
      %dma_wait3A_48 = tpu.memref_slice %arg11[%mul3A_20, %dma_wait3A_47] : memref<16384x8xf32, #tpu.memory_space<hbm>> -> memref<512x8xf32, #tpu.memory_space<hbm>>
      tpu.wait_dma2 semaphore(%run_scoped3A : memref<!tpu.dma_semaphore, #tpu.memory_space<semaphore_mem>>) src(%arg20 : memref<512x8xf32, #tpu.memory_space<vmem>>) dst(%dma_wait3A_48 : memref<512x8xf32, #tpu.memory_space<hbm>>)
      tpu.yield
    }) : () -> ()
    return
  }
}

module attributes {stable_mosaic.version = 14 : i64} {
  func.func @_pre_body(%arg0: i32, %arg1: memref<1x256x8xf32, #tpu.memory_space<vmem>>, %arg2: memref<1x8x16384xf32, #tpu.memory_space<vmem>>, %arg3: memref<1x256x16xi32, #tpu.memory_space<vmem>>, %arg4: memref<1x256x16xf32, #tpu.memory_space<vmem>>) attributes {dimension_semantics = [#tpu.dimension_semantics<arbitrary>], iteration_bounds = array<i64: 4>, scalar_prefetch = 0 : i64, scratch_operands = 0 : i64, tpu.core_type = #tpu.core_type<tc>, window_params = [{transform_indices = @transform_0, window_bounds = array<i64: 1, 256, 8>}, {transform_indices = @transform_1, window_bounds = array<i64: 1, 8, 16384>}, {transform_indices = @transform_2, window_bounds = array<i64: 1, 256, 16>}, {transform_indices = @transform_3, window_bounds = array<i64: 1, 256, 16>}]} {
    %get3A = arith.constant 0 : index
    %get3A_0 = arith.constant 0 : index
    %get3A_1 = arith.constant 0 : index
    %get3A_2 = vector.load %arg1[%get3A, %get3A_0, %get3A_1] : memref<1x256x8xf32, #tpu.memory_space<vmem>>, vector<1x256x8xf32>
    %get3A_3 = vector.shape_cast %get3A_2 : vector<1x256x8xf32> to vector<256x8xf32>
    %mul3A = arith.mulf %get3A_3, %get3A_3 : vector<256x8xf32>
    %reduce_sum3A = arith.constant dense<0.000000e+00> : vector<256xf32>
    %reduce_sum3A_4 = vector.multi_reduction <add>, %mul3A, %reduce_sum3A [1] : vector<256x8xf32> to vector<256xf32>
    %broadcast_in_dim3A = vector.shape_cast %reduce_sum3A_4 : vector<256xf32> to vector<256x1xf32>
    %iota3A = tpu.iota {dimensions = array<i32: 1>} : vector<256x128xi32>
    %broadcast_in_dim3A_5 = arith.constant 0x7F800000 : f32
    %broadcast_in_dim3A_6 = vector.broadcast %broadcast_in_dim3A_5 : f32 to vector<256x128xf32>
    %scan3A = arith.constant 0 : i32
    %scan3A_7 = arith.constant 8 : i32
    %scan3A_8 = arith.addi %scan3A, %scan3A_7 : i32
    %scan3A_9 = arith.constant 1 : i32
    %scan3A_10 = scf.for %scan3A_45 = %scan3A to %scan3A_8 step %scan3A_9 iter_args(%scan3A_46 = %broadcast_in_dim3A_6) -> (vector<256x128xf32>)  : i32 {
      %mul3A_47 = arith.constant 2048 : i32
      %mul3A_48 = arith.muli %scan3A_45, %mul3A_47 : i32
      %get3A_49 = arith.constant 0 : index
      %get3A_50 = arith.constant 0 : index
      %get3A_51 = arith.index_cast %mul3A_48 : i32 to index
      %get3A_52 = vector.load %arg2[%get3A_49, %get3A_50, %get3A_51] : memref<1x8x16384xf32, #tpu.memory_space<vmem>>, vector<1x8x2048xf32>
      %get3A_53 = vector.shape_cast %get3A_52 : vector<1x8x2048xf32> to vector<8x2048xf32>
      %dot_general3A = arith.constant dense<0.000000e+00> : vector<256x2048xf32>
      %dot_general3A_54 = tpu.matmul %get3A_3, %get3A_53, %dot_general3A {dimension_numbers = #tpu.dot_dimension_numbers<[1], [0], [0], [1], [0, 0, 1, 1], [], []>, transpose_lhs_hint = false} : vector<256x8xf32>, vector<8x2048xf32>, vector<256x2048xf32> -> vector<256x2048xf32>
      %mul3A_55 = arith.mulf %get3A_53, %get3A_53 : vector<8x2048xf32>
      %reduce_sum3A_56 = arith.constant dense<0.000000e+00> : vector<2048xf32>
      %reduce_sum3A_57 = vector.multi_reduction <add>, %mul3A_55, %reduce_sum3A_56 [0] : vector<8x2048xf32> to vector<2048xf32>
      %broadcast_in_dim3A_58 = vector.shape_cast %reduce_sum3A_57 : vector<2048xf32> to vector<1x2048xf32>
      %add3A_59 = vector.broadcast %broadcast_in_dim3A : vector<256x1xf32> to vector<256x2048xf32>
      %add3A_60 = vector.broadcast %broadcast_in_dim3A_58 : vector<1x2048xf32> to vector<256x2048xf32>
      %add3A_61 = arith.addf %add3A_59, %add3A_60 : vector<256x2048xf32>
      %mul3A_62 = arith.constant 2.000000e+00 : f32
      %mul3A_63 = vector.broadcast %mul3A_62 : f32 to vector<256x2048xf32>
      %mul3A_64 = arith.mulf %mul3A_63, %dot_general3A_54 : vector<256x2048xf32>
      %sub3A = arith.subf %add3A_61, %mul3A_64 : vector<256x2048xf32>
      %slice3A = vector.extract_strided_slice %sub3A {offsets = [0, 0], sizes = [256, 128], strides = [1, 1]} : vector<256x2048xf32> to vector<256x128xf32>
      %reduce_min3A = arith.constant dense<0x7F800000> : vector<256xf32>
      %reduce_min3A_65 = vector.multi_reduction <minimumf>, %slice3A, %reduce_min3A [1] : vector<256x128xf32> to vector<256xf32>
      %broadcast_in_dim3A_66 = vector.shape_cast %reduce_min3A_65 : vector<256xf32> to vector<256x1xf32>
      %mul3A_67 = arith.constant 16 : i32
      %mul3A_68 = arith.muli %scan3A_45, %mul3A_67 : i32
      %add3A_69 = arith.constant 0 : i32
      %add3A_70 = arith.addi %mul3A_68, %add3A_69 : i32
      %eq3A = vector.broadcast %add3A_70 : i32 to vector<256x128xi32>
      %eq3A_71 = arith.cmpi eq, %iota3A, %eq3A : vector<256x128xi32>
      %broadcast_in_dim3A_72 = vector.shape_cast %broadcast_in_dim3A_66 : vector<256x1xf32> to vector<256x1xf32>
      %broadcast_in_dim3A_73 = vector.broadcast %broadcast_in_dim3A_72 : vector<256x1xf32> to vector<256x128xf32>
      %select_n3A = arith.select %eq3A_71, %broadcast_in_dim3A_73, %scan3A_46 : vector<256x128xi1>, vector<256x128xf32>
      %slice3A_74 = vector.extract_strided_slice %sub3A {offsets = [0, 128], sizes = [256, 128], strides = [1, 1]} : vector<256x2048xf32> to vector<256x128xf32>
      %reduce_min3A_75 = arith.constant dense<0x7F800000> : vector<256xf32>
      %reduce_min3A_76 = vector.multi_reduction <minimumf>, %slice3A_74, %reduce_min3A_75 [1] : vector<256x128xf32> to vector<256xf32>
      %broadcast_in_dim3A_77 = vector.shape_cast %reduce_min3A_76 : vector<256xf32> to vector<256x1xf32>
      %mul3A_78 = arith.constant 16 : i32
      %mul3A_79 = arith.muli %scan3A_45, %mul3A_78 : i32
      %add3A_80 = arith.constant 1 : i32
      %add3A_81 = arith.addi %mul3A_79, %add3A_80 : i32
      %eq3A_82 = vector.broadcast %add3A_81 : i32 to vector<256x128xi32>
      %eq3A_83 = arith.cmpi eq, %iota3A, %eq3A_82 : vector<256x128xi32>
      %broadcast_in_dim3A_84 = vector.shape_cast %broadcast_in_dim3A_77 : vector<256x1xf32> to vector<256x1xf32>
      %broadcast_in_dim3A_85 = vector.broadcast %broadcast_in_dim3A_84 : vector<256x1xf32> to vector<256x128xf32>
      %select_n3A_86 = arith.select %eq3A_83, %broadcast_in_dim3A_85, %select_n3A : vector<256x128xi1>, vector<256x128xf32>
      %slice3A_87 = vector.extract_strided_slice %sub3A {offsets = [0, 256], sizes = [256, 128], strides = [1, 1]} : vector<256x2048xf32> to vector<256x128xf32>
      %reduce_min3A_88 = arith.constant dense<0x7F800000> : vector<256xf32>
      %reduce_min3A_89 = vector.multi_reduction <minimumf>, %slice3A_87, %reduce_min3A_88 [1] : vector<256x128xf32> to vector<256xf32>
      %broadcast_in_dim3A_90 = vector.shape_cast %reduce_min3A_89 : vector<256xf32> to vector<256x1xf32>
      %mul3A_91 = arith.constant 16 : i32
      %mul3A_92 = arith.muli %scan3A_45, %mul3A_91 : i32
      %add3A_93 = arith.constant 2 : i32
      %add3A_94 = arith.addi %mul3A_92, %add3A_93 : i32
      %eq3A_95 = vector.broadcast %add3A_94 : i32 to vector<256x128xi32>
      %eq3A_96 = arith.cmpi eq, %iota3A, %eq3A_95 : vector<256x128xi32>
      %broadcast_in_dim3A_97 = vector.shape_cast %broadcast_in_dim3A_90 : vector<256x1xf32> to vector<256x1xf32>
      %broadcast_in_dim3A_98 = vector.broadcast %broadcast_in_dim3A_97 : vector<256x1xf32> to vector<256x128xf32>
      %select_n3A_99 = arith.select %eq3A_96, %broadcast_in_dim3A_98, %select_n3A_86 : vector<256x128xi1>, vector<256x128xf32>
      %slice3A_100 = vector.extract_strided_slice %sub3A {offsets = [0, 384], sizes = [256, 128], strides = [1, 1]} : vector<256x2048xf32> to vector<256x128xf32>
      %reduce_min3A_101 = arith.constant dense<0x7F800000> : vector<256xf32>
      %reduce_min3A_102 = vector.multi_reduction <minimumf>, %slice3A_100, %reduce_min3A_101 [1] : vector<256x128xf32> to vector<256xf32>
      %broadcast_in_dim3A_103 = vector.shape_cast %reduce_min3A_102 : vector<256xf32> to vector<256x1xf32>
      %mul3A_104 = arith.constant 16 : i32
      %mul3A_105 = arith.muli %scan3A_45, %mul3A_104 : i32
      %add3A_106 = arith.constant 3 : i32
      %add3A_107 = arith.addi %mul3A_105, %add3A_106 : i32
      %eq3A_108 = vector.broadcast %add3A_107 : i32 to vector<256x128xi32>
      %eq3A_109 = arith.cmpi eq, %iota3A, %eq3A_108 : vector<256x128xi32>
      %broadcast_in_dim3A_110 = vector.shape_cast %broadcast_in_dim3A_103 : vector<256x1xf32> to vector<256x1xf32>
      %broadcast_in_dim3A_111 = vector.broadcast %broadcast_in_dim3A_110 : vector<256x1xf32> to vector<256x128xf32>
      %select_n3A_112 = arith.select %eq3A_109, %broadcast_in_dim3A_111, %select_n3A_99 : vector<256x128xi1>, vector<256x128xf32>
      %slice3A_113 = vector.extract_strided_slice %sub3A {offsets = [0, 512], sizes = [256, 128], strides = [1, 1]} : vector<256x2048xf32> to vector<256x128xf32>
      %reduce_min3A_114 = arith.constant dense<0x7F800000> : vector<256xf32>
      %reduce_min3A_115 = vector.multi_reduction <minimumf>, %slice3A_113, %reduce_min3A_114 [1] : vector<256x128xf32> to vector<256xf32>
      %broadcast_in_dim3A_116 = vector.shape_cast %reduce_min3A_115 : vector<256xf32> to vector<256x1xf32>
      %mul3A_117 = arith.constant 16 : i32
      %mul3A_118 = arith.muli %scan3A_45, %mul3A_117 : i32
      %add3A_119 = arith.constant 4 : i32
      %add3A_120 = arith.addi %mul3A_118, %add3A_119 : i32
      %eq3A_121 = vector.broadcast %add3A_120 : i32 to vector<256x128xi32>
      %eq3A_122 = arith.cmpi eq, %iota3A, %eq3A_121 : vector<256x128xi32>
      %broadcast_in_dim3A_123 = vector.shape_cast %broadcast_in_dim3A_116 : vector<256x1xf32> to vector<256x1xf32>
      %broadcast_in_dim3A_124 = vector.broadcast %broadcast_in_dim3A_123 : vector<256x1xf32> to vector<256x128xf32>
      %select_n3A_125 = arith.select %eq3A_122, %broadcast_in_dim3A_124, %select_n3A_112 : vector<256x128xi1>, vector<256x128xf32>
      %slice3A_126 = vector.extract_strided_slice %sub3A {offsets = [0, 640], sizes = [256, 128], strides = [1, 1]} : vector<256x2048xf32> to vector<256x128xf32>
      %reduce_min3A_127 = arith.constant dense<0x7F800000> : vector<256xf32>
      %reduce_min3A_128 = vector.multi_reduction <minimumf>, %slice3A_126, %reduce_min3A_127 [1] : vector<256x128xf32> to vector<256xf32>
      %broadcast_in_dim3A_129 = vector.shape_cast %reduce_min3A_128 : vector<256xf32> to vector<256x1xf32>
      %mul3A_130 = arith.constant 16 : i32
      %mul3A_131 = arith.muli %scan3A_45, %mul3A_130 : i32
      %add3A_132 = arith.constant 5 : i32
      %add3A_133 = arith.addi %mul3A_131, %add3A_132 : i32
      %eq3A_134 = vector.broadcast %add3A_133 : i32 to vector<256x128xi32>
      %eq3A_135 = arith.cmpi eq, %iota3A, %eq3A_134 : vector<256x128xi32>
      %broadcast_in_dim3A_136 = vector.shape_cast %broadcast_in_dim3A_129 : vector<256x1xf32> to vector<256x1xf32>
      %broadcast_in_dim3A_137 = vector.broadcast %broadcast_in_dim3A_136 : vector<256x1xf32> to vector<256x128xf32>
      %select_n3A_138 = arith.select %eq3A_135, %broadcast_in_dim3A_137, %select_n3A_125 : vector<256x128xi1>, vector<256x128xf32>
      %slice3A_139 = vector.extract_strided_slice %sub3A {offsets = [0, 768], sizes = [256, 128], strides = [1, 1]} : vector<256x2048xf32> to vector<256x128xf32>
      %reduce_min3A_140 = arith.constant dense<0x7F800000> : vector<256xf32>
      %reduce_min3A_141 = vector.multi_reduction <minimumf>, %slice3A_139, %reduce_min3A_140 [1] : vector<256x128xf32> to vector<256xf32>
      %broadcast_in_dim3A_142 = vector.shape_cast %reduce_min3A_141 : vector<256xf32> to vector<256x1xf32>
      %mul3A_143 = arith.constant 16 : i32
      %mul3A_144 = arith.muli %scan3A_45, %mul3A_143 : i32
      %add3A_145 = arith.constant 6 : i32
      %add3A_146 = arith.addi %mul3A_144, %add3A_145 : i32
      %eq3A_147 = vector.broadcast %add3A_146 : i32 to vector<256x128xi32>
      %eq3A_148 = arith.cmpi eq, %iota3A, %eq3A_147 : vector<256x128xi32>
      %broadcast_in_dim3A_149 = vector.shape_cast %broadcast_in_dim3A_142 : vector<256x1xf32> to vector<256x1xf32>
      %broadcast_in_dim3A_150 = vector.broadcast %broadcast_in_dim3A_149 : vector<256x1xf32> to vector<256x128xf32>
      %select_n3A_151 = arith.select %eq3A_148, %broadcast_in_dim3A_150, %select_n3A_138 : vector<256x128xi1>, vector<256x128xf32>
      %slice3A_152 = vector.extract_strided_slice %sub3A {offsets = [0, 896], sizes = [256, 128], strides = [1, 1]} : vector<256x2048xf32> to vector<256x128xf32>
      %reduce_min3A_153 = arith.constant dense<0x7F800000> : vector<256xf32>
      %reduce_min3A_154 = vector.multi_reduction <minimumf>, %slice3A_152, %reduce_min3A_153 [1] : vector<256x128xf32> to vector<256xf32>
      %broadcast_in_dim3A_155 = vector.shape_cast %reduce_min3A_154 : vector<256xf32> to vector<256x1xf32>
      %mul3A_156 = arith.constant 16 : i32
      %mul3A_157 = arith.muli %scan3A_45, %mul3A_156 : i32
      %add3A_158 = arith.constant 7 : i32
      %add3A_159 = arith.addi %mul3A_157, %add3A_158 : i32
      %eq3A_160 = vector.broadcast %add3A_159 : i32 to vector<256x128xi32>
      %eq3A_161 = arith.cmpi eq, %iota3A, %eq3A_160 : vector<256x128xi32>
      %broadcast_in_dim3A_162 = vector.shape_cast %broadcast_in_dim3A_155 : vector<256x1xf32> to vector<256x1xf32>
      %broadcast_in_dim3A_163 = vector.broadcast %broadcast_in_dim3A_162 : vector<256x1xf32> to vector<256x128xf32>
      %select_n3A_164 = arith.select %eq3A_161, %broadcast_in_dim3A_163, %select_n3A_151 : vector<256x128xi1>, vector<256x128xf32>
      %slice3A_165 = vector.extract_strided_slice %sub3A {offsets = [0, 1024], sizes = [256, 128], strides = [1, 1]} : vector<256x2048xf32> to vector<256x128xf32>
      %reduce_min3A_166 = arith.constant dense<0x7F800000> : vector<256xf32>
      %reduce_min3A_167 = vector.multi_reduction <minimumf>, %slice3A_165, %reduce_min3A_166 [1] : vector<256x128xf32> to vector<256xf32>
      %broadcast_in_dim3A_168 = vector.shape_cast %reduce_min3A_167 : vector<256xf32> to vector<256x1xf32>
      %mul3A_169 = arith.constant 16 : i32
      %mul3A_170 = arith.muli %scan3A_45, %mul3A_169 : i32
      %add3A_171 = arith.constant 8 : i32
      %add3A_172 = arith.addi %mul3A_170, %add3A_171 : i32
      %eq3A_173 = vector.broadcast %add3A_172 : i32 to vector<256x128xi32>
      %eq3A_174 = arith.cmpi eq, %iota3A, %eq3A_173 : vector<256x128xi32>
      %broadcast_in_dim3A_175 = vector.shape_cast %broadcast_in_dim3A_168 : vector<256x1xf32> to vector<256x1xf32>
      %broadcast_in_dim3A_176 = vector.broadcast %broadcast_in_dim3A_175 : vector<256x1xf32> to vector<256x128xf32>
      %select_n3A_177 = arith.select %eq3A_174, %broadcast_in_dim3A_176, %select_n3A_164 : vector<256x128xi1>, vector<256x128xf32>
      %slice3A_178 = vector.extract_strided_slice %sub3A {offsets = [0, 1152], sizes = [256, 128], strides = [1, 1]} : vector<256x2048xf32> to vector<256x128xf32>
      %reduce_min3A_179 = arith.constant dense<0x7F800000> : vector<256xf32>
      %reduce_min3A_180 = vector.multi_reduction <minimumf>, %slice3A_178, %reduce_min3A_179 [1] : vector<256x128xf32> to vector<256xf32>
      %broadcast_in_dim3A_181 = vector.shape_cast %reduce_min3A_180 : vector<256xf32> to vector<256x1xf32>
      %mul3A_182 = arith.constant 16 : i32
      %mul3A_183 = arith.muli %scan3A_45, %mul3A_182 : i32
      %add3A_184 = arith.constant 9 : i32
      %add3A_185 = arith.addi %mul3A_183, %add3A_184 : i32
      %eq3A_186 = vector.broadcast %add3A_185 : i32 to vector<256x128xi32>
      %eq3A_187 = arith.cmpi eq, %iota3A, %eq3A_186 : vector<256x128xi32>
      %broadcast_in_dim3A_188 = vector.shape_cast %broadcast_in_dim3A_181 : vector<256x1xf32> to vector<256x1xf32>
      %broadcast_in_dim3A_189 = vector.broadcast %broadcast_in_dim3A_188 : vector<256x1xf32> to vector<256x128xf32>
      %select_n3A_190 = arith.select %eq3A_187, %broadcast_in_dim3A_189, %select_n3A_177 : vector<256x128xi1>, vector<256x128xf32>
      %slice3A_191 = vector.extract_strided_slice %sub3A {offsets = [0, 1280], sizes = [256, 128], strides = [1, 1]} : vector<256x2048xf32> to vector<256x128xf32>
      %reduce_min3A_192 = arith.constant dense<0x7F800000> : vector<256xf32>
      %reduce_min3A_193 = vector.multi_reduction <minimumf>, %slice3A_191, %reduce_min3A_192 [1] : vector<256x128xf32> to vector<256xf32>
      %broadcast_in_dim3A_194 = vector.shape_cast %reduce_min3A_193 : vector<256xf32> to vector<256x1xf32>
      %mul3A_195 = arith.constant 16 : i32
      %mul3A_196 = arith.muli %scan3A_45, %mul3A_195 : i32
      %add3A_197 = arith.constant 10 : i32
      %add3A_198 = arith.addi %mul3A_196, %add3A_197 : i32
      %eq3A_199 = vector.broadcast %add3A_198 : i32 to vector<256x128xi32>
      %eq3A_200 = arith.cmpi eq, %iota3A, %eq3A_199 : vector<256x128xi32>
      %broadcast_in_dim3A_201 = vector.shape_cast %broadcast_in_dim3A_194 : vector<256x1xf32> to vector<256x1xf32>
      %broadcast_in_dim3A_202 = vector.broadcast %broadcast_in_dim3A_201 : vector<256x1xf32> to vector<256x128xf32>
      %select_n3A_203 = arith.select %eq3A_200, %broadcast_in_dim3A_202, %select_n3A_190 : vector<256x128xi1>, vector<256x128xf32>
      %slice3A_204 = vector.extract_strided_slice %sub3A {offsets = [0, 1408], sizes = [256, 128], strides = [1, 1]} : vector<256x2048xf32> to vector<256x128xf32>
      %reduce_min3A_205 = arith.constant dense<0x7F800000> : vector<256xf32>
      %reduce_min3A_206 = vector.multi_reduction <minimumf>, %slice3A_204, %reduce_min3A_205 [1] : vector<256x128xf32> to vector<256xf32>
      %broadcast_in_dim3A_207 = vector.shape_cast %reduce_min3A_206 : vector<256xf32> to vector<256x1xf32>
      %mul3A_208 = arith.constant 16 : i32
      %mul3A_209 = arith.muli %scan3A_45, %mul3A_208 : i32
      %add3A_210 = arith.constant 11 : i32
      %add3A_211 = arith.addi %mul3A_209, %add3A_210 : i32
      %eq3A_212 = vector.broadcast %add3A_211 : i32 to vector<256x128xi32>
      %eq3A_213 = arith.cmpi eq, %iota3A, %eq3A_212 : vector<256x128xi32>
      %broadcast_in_dim3A_214 = vector.shape_cast %broadcast_in_dim3A_207 : vector<256x1xf32> to vector<256x1xf32>
      %broadcast_in_dim3A_215 = vector.broadcast %broadcast_in_dim3A_214 : vector<256x1xf32> to vector<256x128xf32>
      %select_n3A_216 = arith.select %eq3A_213, %broadcast_in_dim3A_215, %select_n3A_203 : vector<256x128xi1>, vector<256x128xf32>
      %slice3A_217 = vector.extract_strided_slice %sub3A {offsets = [0, 1536], sizes = [256, 128], strides = [1, 1]} : vector<256x2048xf32> to vector<256x128xf32>
      %reduce_min3A_218 = arith.constant dense<0x7F800000> : vector<256xf32>
      %reduce_min3A_219 = vector.multi_reduction <minimumf>, %slice3A_217, %reduce_min3A_218 [1] : vector<256x128xf32> to vector<256xf32>
      %broadcast_in_dim3A_220 = vector.shape_cast %reduce_min3A_219 : vector<256xf32> to vector<256x1xf32>
      %mul3A_221 = arith.constant 16 : i32
      %mul3A_222 = arith.muli %scan3A_45, %mul3A_221 : i32
      %add3A_223 = arith.constant 12 : i32
      %add3A_224 = arith.addi %mul3A_222, %add3A_223 : i32
      %eq3A_225 = vector.broadcast %add3A_224 : i32 to vector<256x128xi32>
      %eq3A_226 = arith.cmpi eq, %iota3A, %eq3A_225 : vector<256x128xi32>
      %broadcast_in_dim3A_227 = vector.shape_cast %broadcast_in_dim3A_220 : vector<256x1xf32> to vector<256x1xf32>
      %broadcast_in_dim3A_228 = vector.broadcast %broadcast_in_dim3A_227 : vector<256x1xf32> to vector<256x128xf32>
      %select_n3A_229 = arith.select %eq3A_226, %broadcast_in_dim3A_228, %select_n3A_216 : vector<256x128xi1>, vector<256x128xf32>
      %slice3A_230 = vector.extract_strided_slice %sub3A {offsets = [0, 1664], sizes = [256, 128], strides = [1, 1]} : vector<256x2048xf32> to vector<256x128xf32>
      %reduce_min3A_231 = arith.constant dense<0x7F800000> : vector<256xf32>
      %reduce_min3A_232 = vector.multi_reduction <minimumf>, %slice3A_230, %reduce_min3A_231 [1] : vector<256x128xf32> to vector<256xf32>
      %broadcast_in_dim3A_233 = vector.shape_cast %reduce_min3A_232 : vector<256xf32> to vector<256x1xf32>
      %mul3A_234 = arith.constant 16 : i32
      %mul3A_235 = arith.muli %scan3A_45, %mul3A_234 : i32
      %add3A_236 = arith.constant 13 : i32
      %add3A_237 = arith.addi %mul3A_235, %add3A_236 : i32
      %eq3A_238 = vector.broadcast %add3A_237 : i32 to vector<256x128xi32>
      %eq3A_239 = arith.cmpi eq, %iota3A, %eq3A_238 : vector<256x128xi32>
      %broadcast_in_dim3A_240 = vector.shape_cast %broadcast_in_dim3A_233 : vector<256x1xf32> to vector<256x1xf32>
      %broadcast_in_dim3A_241 = vector.broadcast %broadcast_in_dim3A_240 : vector<256x1xf32> to vector<256x128xf32>
      %select_n3A_242 = arith.select %eq3A_239, %broadcast_in_dim3A_241, %select_n3A_229 : vector<256x128xi1>, vector<256x128xf32>
      %slice3A_243 = vector.extract_strided_slice %sub3A {offsets = [0, 1792], sizes = [256, 128], strides = [1, 1]} : vector<256x2048xf32> to vector<256x128xf32>
      %reduce_min3A_244 = arith.constant dense<0x7F800000> : vector<256xf32>
      %reduce_min3A_245 = vector.multi_reduction <minimumf>, %slice3A_243, %reduce_min3A_244 [1] : vector<256x128xf32> to vector<256xf32>
      %broadcast_in_dim3A_246 = vector.shape_cast %reduce_min3A_245 : vector<256xf32> to vector<256x1xf32>
      %mul3A_247 = arith.constant 16 : i32
      %mul3A_248 = arith.muli %scan3A_45, %mul3A_247 : i32
      %add3A_249 = arith.constant 14 : i32
      %add3A_250 = arith.addi %mul3A_248, %add3A_249 : i32
      %eq3A_251 = vector.broadcast %add3A_250 : i32 to vector<256x128xi32>
      %eq3A_252 = arith.cmpi eq, %iota3A, %eq3A_251 : vector<256x128xi32>
      %broadcast_in_dim3A_253 = vector.shape_cast %broadcast_in_dim3A_246 : vector<256x1xf32> to vector<256x1xf32>
      %broadcast_in_dim3A_254 = vector.broadcast %broadcast_in_dim3A_253 : vector<256x1xf32> to vector<256x128xf32>
      %select_n3A_255 = arith.select %eq3A_252, %broadcast_in_dim3A_254, %select_n3A_242 : vector<256x128xi1>, vector<256x128xf32>
      %slice3A_256 = vector.extract_strided_slice %sub3A {offsets = [0, 1920], sizes = [256, 128], strides = [1, 1]} : vector<256x2048xf32> to vector<256x128xf32>
      %reduce_min3A_257 = arith.constant dense<0x7F800000> : vector<256xf32>
      %reduce_min3A_258 = vector.multi_reduction <minimumf>, %slice3A_256, %reduce_min3A_257 [1] : vector<256x128xf32> to vector<256xf32>
      %broadcast_in_dim3A_259 = vector.shape_cast %reduce_min3A_258 : vector<256xf32> to vector<256x1xf32>
      %mul3A_260 = arith.constant 16 : i32
      %mul3A_261 = arith.muli %scan3A_45, %mul3A_260 : i32
      %add3A_262 = arith.constant 15 : i32
      %add3A_263 = arith.addi %mul3A_261, %add3A_262 : i32
      %eq3A_264 = vector.broadcast %add3A_263 : i32 to vector<256x128xi32>
      %eq3A_265 = arith.cmpi eq, %iota3A, %eq3A_264 : vector<256x128xi32>
      %broadcast_in_dim3A_266 = vector.shape_cast %broadcast_in_dim3A_259 : vector<256x1xf32> to vector<256x1xf32>
      %broadcast_in_dim3A_267 = vector.broadcast %broadcast_in_dim3A_266 : vector<256x1xf32> to vector<256x128xf32>
      %select_n3A_268 = arith.select %eq3A_265, %broadcast_in_dim3A_267, %select_n3A_255 : vector<256x128xi1>, vector<256x128xf32>
      scf.yield %select_n3A_268 : vector<256x128xf32>
    }
    %scan3A_11 = arith.constant 8 : i32
    %iota3A_12 = tpu.iota {dimensions = array<i32: 1>} : vector<256x16xi32>
    %broadcast_in_dim3A_13 = arith.constant 0xFF800000 : f32
    %broadcast_in_dim3A_14 = vector.broadcast %broadcast_in_dim3A_13 : f32 to vector<256x1xf32>
    %broadcast_in_dim3A_15 = arith.constant -1 : i32
    %broadcast_in_dim3A_16 = vector.broadcast %broadcast_in_dim3A_15 : i32 to vector<256x1xi32>
    %broadcast_in_dim3A_17 = arith.constant 0 : i32
    %broadcast_in_dim3A_18 = vector.broadcast %broadcast_in_dim3A_17 : i32 to vector<256x16xi32>
    %scan3A_19 = arith.constant 128 : i32
    %scan3A_20 = arith.constant 0 : i32
    %scan3A_21 = arith.constant 16 : i32
    %scan3A_22 = arith.addi %scan3A_20, %scan3A_21 : i32
    %scan3A_23 = arith.constant 1 : i32
    %scan3A_24:3 = scf.for %scan3A_45 = %scan3A_20 to %scan3A_22 step %scan3A_23 iter_args(%scan3A_46 = %broadcast_in_dim3A_14, %scan3A_47 = %broadcast_in_dim3A_16, %scan3A_48 = %broadcast_in_dim3A_18) -> (vector<256x1xf32>, vector<256x1xi32>, vector<256x16xi32>)  : i32 {
      %gt3A = vector.broadcast %scan3A_46 : vector<256x1xf32> to vector<256x128xf32>
      %gt3A_49 = arith.cmpf ogt, %scan3A_10, %gt3A : vector<256x128xf32>
      %eq3A = vector.broadcast %scan3A_46 : vector<256x1xf32> to vector<256x128xf32>
      %eq3A_50 = arith.cmpf oeq, %scan3A_10, %eq3A : vector<256x128xf32>
      %gt3A_51 = vector.broadcast %scan3A_47 : vector<256x1xi32> to vector<256x128xi32>
      %gt3A_52 = arith.cmpi sgt, %iota3A, %gt3A_51 : vector<256x128xi32>
      %and3A = arith.andi %eq3A_50, %gt3A_52 : vector<256x128xi1>
      %or3A = arith.ori %gt3A_49, %and3A : vector<256x128xi1>
      %jit3A = arith.constant 0x7F800000 : f32
      %broadcast_in_dim3A_53 = vector.broadcast %jit3A : f32 to vector<256x128xf32>
      %select_n3A = arith.select %or3A, %scan3A_10, %broadcast_in_dim3A_53 : vector<256x128xi1>, vector<256x128xf32>
      %reduce_min3A = arith.constant dense<0x7F800000> : vector<256xf32>
      %reduce_min3A_54 = vector.multi_reduction <minimumf>, %select_n3A, %reduce_min3A [1] : vector<256x128xf32> to vector<256xf32>
      %broadcast_in_dim3A_55 = vector.shape_cast %reduce_min3A_54 : vector<256xf32> to vector<256x1xf32>
      %eq3A_56 = vector.broadcast %broadcast_in_dim3A_55 : vector<256x1xf32> to vector<256x128xf32>
      %eq3A_57 = arith.cmpf oeq, %select_n3A, %eq3A_56 : vector<256x128xf32>
      %broadcast_in_dim3A_58 = vector.broadcast %scan3A_19 : i32 to vector<256x128xi32>
      %select_n3A_59 = arith.select %eq3A_57, %iota3A, %broadcast_in_dim3A_58 : vector<256x128xi1>, vector<256x128xi32>
      %reduce_min3A_60 = arith.constant dense<2147483647> : vector<256xi32>
      %reduce_min3A_61 = vector.multi_reduction <minsi>, %select_n3A_59, %reduce_min3A_60 [1] : vector<256x128xi32> to vector<256xi32>
      %broadcast_in_dim3A_62 = vector.shape_cast %reduce_min3A_61 : vector<256xi32> to vector<256x1xi32>
      %eq3A_63 = vector.broadcast %scan3A_45 : i32 to vector<256x16xi32>
      %eq3A_64 = arith.cmpi eq, %iota3A_12, %eq3A_63 : vector<256x16xi32>
      %broadcast_in_dim3A_65 = vector.shape_cast %broadcast_in_dim3A_62 : vector<256x1xi32> to vector<256x1xi32>
      %broadcast_in_dim3A_66 = vector.broadcast %broadcast_in_dim3A_65 : vector<256x1xi32> to vector<256x16xi32>
      %select_n3A_67 = arith.select %eq3A_64, %broadcast_in_dim3A_66, %scan3A_48 : vector<256x16xi1>, vector<256x16xi32>
      scf.yield %broadcast_in_dim3A_55, %broadcast_in_dim3A_62, %select_n3A_67 : vector<256x1xf32>, vector<256x1xi32>, vector<256x16xi32>
    }
    %scan3A_25 = arith.constant 16 : i32
    %swap3A = arith.constant 0 : index
    %swap3A_26 = arith.constant 0 : index
    %swap3A_27 = arith.constant 0 : index
    %swap3A_28 = vector.load %arg3[%swap3A, %swap3A_26, %swap3A_27] : memref<1x256x16xi32, #tpu.memory_space<vmem>>, vector<1x256x16xi32>
    %swap3A_29 = vector.shape_cast %swap3A_28 : vector<1x256x16xi32> to vector<256x16xi32>
    %swap3A_30 = vector.shape_cast %scan3A_24#2 : vector<256x16xi32> to vector<1x256x16xi32>
    tpu.vector_store %arg3[%swap3A, %swap3A_26, %swap3A_27], %swap3A_30 {strides = array<i32>} : memref<1x256x16xi32, #tpu.memory_space<vmem>>, vector<1x256x16xi32>,
    %abs3A = math.absf %scan3A_24#0 : vector<256x1xf32>
    %mul3A_31 = arith.constant 9.99999974E-5 : f32
    %mul3A_32 = vector.broadcast %mul3A_31 : f32 to vector<256x1xf32>
    %mul3A_33 = arith.mulf %abs3A, %mul3A_32 : vector<256x1xf32>
    %add3A = arith.addf %scan3A_24#0, %mul3A_33 : vector<256x1xf32>
    %add3A_34 = arith.constant 2.000000e-06 : f32
    %add3A_35 = vector.broadcast %add3A_34 : f32 to vector<256x1xf32>
    %add3A_36 = arith.addf %add3A, %add3A_35 : vector<256x1xf32>
    %broadcast_in_dim3A_37 = vector.shape_cast %add3A_36 : vector<256x1xf32> to vector<256x1xf32>
    %broadcast_in_dim3A_38 = vector.broadcast %broadcast_in_dim3A_37 : vector<256x1xf32> to vector<256x16xf32>
    %swap3A_39 = arith.constant 0 : index
    %swap3A_40 = arith.constant 0 : index
    %swap3A_41 = arith.constant 0 : index
    %swap3A_42 = vector.load %arg4[%swap3A_39, %swap3A_40, %swap3A_41] : memref<1x256x16xf32, #tpu.memory_space<vmem>>, vector<1x256x16xf32>
    %swap3A_43 = vector.shape_cast %swap3A_42 : vector<1x256x16xf32> to vector<256x16xf32>
    %swap3A_44 = vector.shape_cast %broadcast_in_dim3A_38 : vector<256x16xf32> to vector<1x256x16xf32>
    tpu.vector_store %arg4[%swap3A_39, %swap3A_40, %swap3A_41], %swap3A_44 {strides = array<i32>} : memref<1x256x16xf32, #tpu.memory_space<vmem>>, vector<1x256x16xf32>,
    return
  }
  func.func @transform_0(%arg0: i32) -> (i32, i32, i32) {
    %c0_i32 = arith.constant 0 : i32
    %c0_i32_0 = arith.constant 0 : i32
    %c0_i32_1 = arith.constant 0 : i32
    return %arg0, %c0_i32, %c0_i32_0 : i32, i32, i32
  }
  func.func @transform_1(%arg0: i32) -> (i32, i32, i32) {
    %c0_i32 = arith.constant 0 : i32
    %c0_i32_0 = arith.constant 0 : i32
    %c0_i32_1 = arith.constant 0 : i32
    return %arg0, %c0_i32, %c0_i32_0 : i32, i32, i32
  }
  func.func @transform_2(%arg0: i32) -> (i32, i32, i32) {
    %c0_i32 = arith.constant 0 : i32
    %c0_i32_0 = arith.constant 0 : i32
    %c0_i32_1 = arith.constant 0 : i32
    return %arg0, %c0_i32, %c0_i32_0 : i32, i32, i32
  }
  func.func @transform_3(%arg0: i32) -> (i32, i32, i32) {
    %c0_i32 = arith.constant 0 : i32
    %c0_i32_0 = arith.constant 0 : i32
    %c0_i32_1 = arith.constant 0 : i32
    return %arg0, %c0_i32, %c0_i32_0 : i32, i32, i32
  }
}

module attributes {stable_mosaic.version = 14 : i64} {
  func.func @_epi_body(%arg0: i32, %arg1: memref<1x4096x256xf32, #tpu.memory_space<vmem>>, %arg2: memref<1x4096x128xf32, #tpu.memory_space<vmem>>, %arg3: memref<1x256x256xf32, #tpu.memory_space<vmem>>, %arg4: memref<1x256x8xf32, #tpu.memory_space<vmem>>, %arg5: memref<256x256xf32, #tpu.memory_space<vmem>>, %arg6: memref<256x256xf32, #tpu.memory_space<vmem>>, %arg7: memref<256x256xf32, #tpu.memory_space<vmem>>, %arg8: memref<128x256xf32, #tpu.memory_space<vmem>>, %arg9: memref<256x256xf32, #tpu.memory_space<vmem>>, %arg10: memref<1x256xf32, #tpu.memory_space<vmem>>, %arg11: memref<1x256xf32, #tpu.memory_space<vmem>>, %arg12: memref<1x256xf32, #tpu.memory_space<vmem>>, %arg13: memref<1x256xf32, #tpu.memory_space<vmem>>, %arg14: memref<1x256xf32, #tpu.memory_space<vmem>>, %arg15: memref<1x256x256xf32, #tpu.memory_space<vmem>>) attributes {dimension_semantics = [#tpu.dimension_semantics<arbitrary>], iteration_bounds = array<i64: 4>, scalar_prefetch = 0 : i64, scratch_operands = 0 : i64, tpu.core_type = #tpu.core_type<tc>, window_params = [{transform_indices = @transform_0, window_bounds = array<i64: 1, 4096, 256>}, {transform_indices = @transform_1, window_bounds = array<i64: 1, 4096, 128>}, {transform_indices = @transform_2, window_bounds = array<i64: 1, 256, 256>}, {transform_indices = @transform_3, window_bounds = array<i64: 1, 256, 8>}, {pipeline_mode = #tpu.pipeline_mode<synchronous>, transform_indices = @transform_4, window_bounds = array<i64: 256, 256>}, {pipeline_mode = #tpu.pipeline_mode<synchronous>, transform_indices = @transform_5, window_bounds = array<i64: 256, 256>}, {pipeline_mode = #tpu.pipeline_mode<synchronous>, transform_indices = @transform_6, window_bounds = array<i64: 256, 256>}, {pipeline_mode = #tpu.pipeline_mode<synchronous>, transform_indices = @transform_7, window_bounds = array<i64: 128, 256>}, {pipeline_mode = #tpu.pipeline_mode<synchronous>, transform_indices = @transform_8, window_bounds = array<i64: 256, 256>}, {pipeline_mode = #tpu.pipeline_mode<synchronous>, transform_indices = @transform_9, window_bounds = array<i64: 1, 256>}, {pipeline_mode = #tpu.pipeline_mode<synchronous>, transform_indices = @transform_10, window_bounds = array<i64: 1, 256>}, {pipeline_mode = #tpu.pipeline_mode<synchronous>, transform_indices = @transform_11, window_bounds = array<i64: 1, 256>}, {pipeline_mode = #tpu.pipeline_mode<synchronous>, transform_indices = @transform_12, window_bounds = array<i64: 1, 256>}, {pipeline_mode = #tpu.pipeline_mode<synchronous>, transform_indices = @transform_13, window_bounds = array<i64: 1, 256>}, {transform_indices = @transform_14, window_bounds = array<i64: 1, 256, 256>}]} {
    %get3A = arith.constant 0 : index
    %get3A_0 = arith.constant 0 : index
    %get3A_1 = arith.constant 0 : index
    %get3A_2 = vector.load %arg1[%get3A, %get3A_0, %get3A_1] : memref<1x4096x256xf32, #tpu.memory_space<vmem>>, vector<1x4096x256xf32>
    %get3A_3 = vector.shape_cast %get3A_2 : vector<1x4096x256xf32> to vector<4096x256xf32>
    %get3A_4 = arith.constant 0 : index
    %get3A_5 = arith.constant 0 : index
    %get3A_6 = arith.constant 0 : index
    %get3A_7 = vector.load %arg2[%get3A_4, %get3A_5, %get3A_6] : memref<1x4096x128xf32, #tpu.memory_space<vmem>>, vector<1x4096x128xf32>
    %get3A_8 = vector.shape_cast %get3A_7 : vector<1x4096x128xf32> to vector<4096x128xf32>
    %get3A_9 = arith.constant 0 : index
    %get3A_10 = arith.constant 0 : index
    %get3A_11 = arith.constant 0 : index
    %get3A_12 = vector.load %arg3[%get3A_9, %get3A_10, %get3A_11] : memref<1x256x256xf32, #tpu.memory_space<vmem>>, vector<1x256x256xf32>
    %get3A_13 = vector.shape_cast %get3A_12 : vector<1x256x256xf32> to vector<256x256xf32>
    %get3A_14 = arith.constant 0 : index
    %get3A_15 = arith.constant 0 : index
    %get3A_16 = arith.constant 0 : index
    %get3A_17 = vector.load %arg4[%get3A_14, %get3A_15, %get3A_16] : memref<1x256x8xf32, #tpu.memory_space<vmem>>, vector<1x256x8xf32>
    %get3A_18 = vector.shape_cast %get3A_17 : vector<1x256x8xf32> to vector<256x8xf32>
    %get3A_19 = arith.constant 0 : index
    %get3A_20 = arith.constant 0 : index
    %get3A_21 = vector.load %arg5[%get3A_19, %get3A_20] : memref<256x256xf32, #tpu.memory_space<vmem>>, vector<256x256xf32>
    %reduce_sum3A = arith.constant dense<0.000000e+00> : vector<256xf32>
    %reduce_sum3A_22 = vector.multi_reduction <add>, %get3A_21, %reduce_sum3A [0] : vector<256x256xf32> to vector<256xf32>
    %broadcast_in_dim3A = vector.shape_cast %reduce_sum3A_22 : vector<256xf32> to vector<1x256xf32>
    %get3A_23 = arith.constant 0 : index
    %get3A_24 = arith.constant 0 : index
    %get3A_25 = vector.load %arg6[%get3A_23, %get3A_24] : memref<256x256xf32, #tpu.memory_space<vmem>>, vector<256x256xf32>
    %reduce_sum3A_26 = arith.constant dense<0.000000e+00> : vector<256xf32>
    %reduce_sum3A_27 = vector.multi_reduction <add>, %get3A_25, %reduce_sum3A_26 [0] : vector<256x256xf32> to vector<256xf32>
    %broadcast_in_dim3A_28 = vector.shape_cast %reduce_sum3A_27 : vector<256xf32> to vector<1x256xf32>
    %get3A_29 = arith.constant 0 : index
    %get3A_30 = arith.constant 0 : index
    %get3A_31 = vector.load %arg9[%get3A_29, %get3A_30] : memref<256x256xf32, #tpu.memory_space<vmem>>, vector<256x256xf32>
    %reduce_sum3A_32 = arith.constant dense<0.000000e+00> : vector<256xf32>
    %reduce_sum3A_33 = vector.multi_reduction <add>, %get3A_31, %reduce_sum3A_32 [0] : vector<256x256xf32> to vector<256xf32>
    %broadcast_in_dim3A_34 = vector.shape_cast %reduce_sum3A_33 : vector<256xf32> to vector<1x256xf32>
    %get3A_35 = arith.constant 0 : index
    %get3A_36 = arith.constant 0 : index
    %get3A_37 = vector.load %arg10[%get3A_35, %get3A_36] : memref<1x256xf32, #tpu.memory_space<vmem>>, vector<1x256xf32>
    %reduce_sum3A_38 = vector.shape_cast %get3A_37 : vector<1x256xf32> to vector<1x1x256xf32>
    %reduce_sum3A_39 = arith.constant dense<0.000000e+00> : vector<1xf32>
    %reduce_sum3A_40 = vector.multi_reduction <add>, %reduce_sum3A_38, %reduce_sum3A_39 [1, 2] : vector<1x1x256xf32> to vector<1xf32>
    %reduce_sum3A_41 = vector.shape_cast %reduce_sum3A_40 : vector<1xf32> to vector<1x1x1xf32>
    %reduce_sum3A_42 = vector.extract %reduce_sum3A_41[0, 0, 0] : f32 from vector<1x1x1xf32>
    %get3A_43 = arith.constant 0 : index
    %get3A_44 = arith.constant 0 : index
    %get3A_45 = vector.load %arg11[%get3A_43, %get3A_44] : memref<1x256xf32, #tpu.memory_space<vmem>>, vector<1x256xf32>
    %reduce_sum3A_46 = vector.shape_cast %get3A_45 : vector<1x256xf32> to vector<1x1x256xf32>
    %reduce_sum3A_47 = arith.constant dense<0.000000e+00> : vector<1xf32>
    %reduce_sum3A_48 = vector.multi_reduction <add>, %reduce_sum3A_46, %reduce_sum3A_47 [1, 2] : vector<1x1x256xf32> to vector<1xf32>
    %reduce_sum3A_49 = vector.shape_cast %reduce_sum3A_48 : vector<1xf32> to vector<1x1x1xf32>
    %reduce_sum3A_50 = vector.extract %reduce_sum3A_49[0, 0, 0] : f32 from vector<1x1x1xf32>
    %get3A_51 = arith.constant 0 : index
    %get3A_52 = arith.constant 0 : index
    %get3A_53 = vector.load %arg14[%get3A_51, %get3A_52] : memref<1x256xf32, #tpu.memory_space<vmem>>, vector<1x256xf32>
    %reduce_sum3A_54 = vector.shape_cast %get3A_53 : vector<1x256xf32> to vector<1x1x256xf32>
    %reduce_sum3A_55 = arith.constant dense<0.000000e+00> : vector<1xf32>
    %reduce_sum3A_56 = vector.multi_reduction <add>, %reduce_sum3A_54, %reduce_sum3A_55 [1, 2] : vector<1x1x256xf32> to vector<1xf32>
    %reduce_sum3A_57 = vector.shape_cast %reduce_sum3A_56 : vector<1xf32> to vector<1x1x1xf32>
    %reduce_sum3A_58 = vector.extract %reduce_sum3A_57[0, 0, 0] : f32 from vector<1x1x1xf32>
    %mul3A = vector.broadcast %broadcast_in_dim3A : vector<1x256xf32> to vector<256x256xf32>
    %mul3A_59 = arith.mulf %get3A_13, %mul3A : vector<256x256xf32>
    %reduce_sum3A_60 = arith.constant dense<0.000000e+00> : vector<256xf32>
    %reduce_sum3A_61 = vector.multi_reduction <add>, %mul3A_59, %reduce_sum3A_60 [1] : vector<256x256xf32> to vector<256xf32>
    %broadcast_in_dim3A_62 = vector.shape_cast %reduce_sum3A_61 : vector<256xf32> to vector<256x1xf32>
    %add3A = vector.broadcast %reduce_sum3A_42 : f32 to vector<256x1xf32>
    %add3A_63 = arith.addf %broadcast_in_dim3A_62, %add3A : vector<256x1xf32>
    %mul3A_64 = vector.broadcast %broadcast_in_dim3A_28 : vector<1x256xf32> to vector<4096x256xf32>
    %mul3A_65 = arith.mulf %get3A_3, %mul3A_64 : vector<4096x256xf32>
    %reduce_sum3A_66 = arith.constant dense<0.000000e+00> : vector<4096xf32>
    %reduce_sum3A_67 = vector.multi_reduction <add>, %mul3A_65, %reduce_sum3A_66 [1] : vector<4096x256xf32> to vector<4096xf32>
    %broadcast_in_dim3A_68 = vector.shape_cast %reduce_sum3A_67 : vector<4096xf32> to vector<4096x1xf32>
    %add3A_69 = vector.broadcast %reduce_sum3A_50 : f32 to vector<4096x1xf32>
    %add3A_70 = arith.addf %broadcast_in_dim3A_68, %add3A_69 : vector<4096x1xf32>
    %get3A_71 = arith.constant 0 : index
    %get3A_72 = arith.constant 0 : index
    %get3A_73 = vector.load %arg8[%get3A_71, %get3A_72] : memref<128x256xf32, #tpu.memory_space<vmem>>, vector<8x256xf32>
    %dot_general3A = arith.constant dense<0.000000e+00> : vector<256x256xf32>
    %dot_general3A_74 = tpu.matmul %get3A_18, %get3A_73, %dot_general3A {dimension_numbers = #tpu.dot_dimension_numbers<[1], [0], [0], [1], [0, 0, 1, 1], [], []>, transpose_lhs_hint = false} : vector<256x8xf32>, vector<8x256xf32>, vector<256x256xf32> -> vector<256x256xf32>
    %get3A_75 = arith.constant 0 : index
    %get3A_76 = arith.constant 0 : index
    %get3A_77 = vector.load %arg8[%get3A_75, %get3A_76] : memref<128x256xf32, #tpu.memory_space<vmem>>, vector<128x256xf32>
    %dot_general3A_78 = arith.constant dense<0.000000e+00> : vector<4096x256xf32>
    %dot_general3A_79 = tpu.matmul %get3A_8, %get3A_77, %dot_general3A_78 {dimension_numbers = #tpu.dot_dimension_numbers<[1], [0], [0], [1], [0, 0, 1, 1], [], []>, transpose_lhs_hint = false} : vector<4096x128xf32>, vector<128x256xf32>, vector<4096x256xf32> -> vector<4096x256xf32>
    %broadcast_in_dim3A_80 = vector.shape_cast %dot_general3A_74 : vector<256x256xf32> to vector<256x1x256xf32>
    %reshape3A = vector.shape_cast %dot_general3A_79 : vector<4096x256xf32> to vector<256x16x256xf32>
    %sub3A = vector.broadcast %broadcast_in_dim3A_80 : vector<256x1x256xf32> to vector<256x16x256xf32>
    %sub3A_81 = arith.subf %sub3A, %reshape3A : vector<256x16x256xf32>
    %get3A_82 = arith.constant 0 : index
    %get3A_83 = arith.constant 0 : index
    %get3A_84 = vector.load %arg13[%get3A_82, %get3A_83] : memref<1x256xf32, #tpu.memory_space<vmem>>, vector<1x256xf32>
    %broadcast_in_dim3A_85 = vector.shape_cast %get3A_84 : vector<1x256xf32> to vector<1x1x256xf32>
    %add3A_86 = vector.broadcast %broadcast_in_dim3A_85 : vector<1x1x256xf32> to vector<256x16x256xf32>
    %add3A_87 = arith.addf %sub3A_81, %add3A_86 : vector<256x16x256xf32>
    %max3A = arith.constant 0.000000e+00 : f32
    %max3A_88 = vector.broadcast %max3A : f32 to vector<256x16x256xf32>
    %max3A_89 = arith.maximumf %add3A_87, %max3A_88 : vector<256x16x256xf32>
    %reshape3A_90 = vector.shape_cast %max3A_89 : vector<256x16x256xf32> to vector<4096x256xf32>
    %mul3A_91 = vector.broadcast %broadcast_in_dim3A_34 : vector<1x256xf32> to vector<4096x256xf32>
    %mul3A_92 = arith.mulf %reshape3A_90, %mul3A_91 : vector<4096x256xf32>
    %reduce_sum3A_93 = arith.constant dense<0.000000e+00> : vector<4096xf32>
    %reduce_sum3A_94 = vector.multi_reduction <add>, %mul3A_92, %reduce_sum3A_93 [1] : vector<4096x256xf32> to vector<4096xf32>
    %broadcast_in_dim3A_95 = vector.shape_cast %reduce_sum3A_94 : vector<4096xf32> to vector<4096x1xf32>
    %add3A_96 = vector.broadcast %reduce_sum3A_58 : f32 to vector<4096x1xf32>
    %add3A_97 = arith.addf %broadcast_in_dim3A_95, %add3A_96 : vector<4096x1xf32>
    %sub3A_98 = arith.subf %add3A_97, %add3A_70 : vector<4096x1xf32>
    %reshape3A_99 = vector.shape_cast %sub3A_98 : vector<4096x1xf32> to vector<256x16xf32>
    %add3A_100 = vector.broadcast %add3A_63 : vector<256x1xf32> to vector<256x16xf32>
    %add3A_101 = arith.addf %reshape3A_99, %add3A_100 : vector<256x16xf32>
    %reduce_max3A = arith.constant dense<0xFF800000> : vector<256xf32>
    %reduce_max3A_102 = vector.multi_reduction <maximumf>, %add3A_101, %reduce_max3A [1] : vector<256x16xf32> to vector<256xf32>
    %broadcast_in_dim3A_103 = vector.shape_cast %reduce_max3A_102 : vector<256xf32> to vector<256x1xf32>
    %sub3A_104 = vector.broadcast %broadcast_in_dim3A_103 : vector<256x1xf32> to vector<256x16xf32>
    %sub3A_105 = arith.subf %add3A_101, %sub3A_104 : vector<256x16xf32>
    %exp3A = math.exp %sub3A_105 : vector<256x16xf32>
    %reduce_sum3A_106 = arith.constant dense<0.000000e+00> : vector<256xf32>
    %reduce_sum3A_107 = vector.multi_reduction <add>, %exp3A, %reduce_sum3A_106 [1] : vector<256x16xf32> to vector<256xf32>
    %broadcast_in_dim3A_108 = vector.shape_cast %reduce_sum3A_107 : vector<256xf32> to vector<256x1xf32>
    %div3A = vector.broadcast %broadcast_in_dim3A_108 : vector<256x1xf32> to vector<256x16xf32>
    %div3A_109 = arith.divf %exp3A, %div3A : vector<256x16xf32>
    %reduce_sum3A_110 = arith.constant dense<0.000000e+00> : vector<16xf32>
    %reduce_sum3A_111 = vector.multi_reduction <add>, %div3A_109, %reduce_sum3A_110 [0] : vector<256x16xf32> to vector<16xf32>
    %broadcast_in_dim3A_112 = vector.shape_cast %reduce_sum3A_111 : vector<16xf32> to vector<1x16xf32>
    %add3A_113 = arith.constant 9.99999997E-7 : f32
    %add3A_114 = vector.broadcast %add3A_113 : f32 to vector<1x16xf32>
    %add3A_115 = arith.addf %broadcast_in_dim3A_112, %add3A_114 : vector<1x16xf32>
    %div3A_116 = vector.broadcast %add3A_115 : vector<1x16xf32> to vector<256x16xf32>
    %div3A_117 = arith.divf %div3A_109, %div3A_116 : vector<256x16xf32>
    %reduce_sum3A_118 = arith.constant dense<0.000000e+00> : vector<256xf32>
    %reduce_sum3A_119 = vector.multi_reduction <add>, %div3A_117, %reduce_sum3A_118 [1] : vector<256x16xf32> to vector<256xf32>
    %broadcast_in_dim3A_120 = vector.shape_cast %reduce_sum3A_119 : vector<256xf32> to vector<256x1xf32>
    %reshape3A_121 = vector.shape_cast %div3A_117 : vector<256x16xf32> to vector<4096x1xf32>
    %mul3A_122 = vector.broadcast %reshape3A_121 : vector<4096x1xf32> to vector<4096x256xf32>
    %mul3A_123 = arith.mulf %mul3A_122, %get3A_3 : vector<4096x256xf32>
    %reshape3A_124 = vector.shape_cast %mul3A_123 : vector<4096x256xf32> to vector<256x16x256xf32>
    %reduce_sum3A_125 = arith.constant dense<0.000000e+00> : vector<256x256xf32>
    %reduce_sum3A_126 = vector.multi_reduction <add>, %reshape3A_124, %reduce_sum3A_125 [1] : vector<256x16x256xf32> to vector<256x256xf32>
    %get3A_127 = arith.constant 0 : index
    %get3A_128 = arith.constant 0 : index
    %get3A_129 = vector.load %arg7[%get3A_127, %get3A_128] : memref<256x256xf32, #tpu.memory_space<vmem>>, vector<256x256xf32>
    %dot_general3A_130 = arith.constant dense<0.000000e+00> : vector<256x256xf32>
    %dot_general3A_131 = tpu.matmul %reduce_sum3A_126, %get3A_129, %dot_general3A_130 {dimension_numbers = #tpu.dot_dimension_numbers<[1], [1], [0], [0], [0, 0, 1, 0], [], []>, transpose_lhs_hint = false} : vector<256x256xf32>, vector<256x256xf32>, vector<256x256xf32> -> vector<256x256xf32>
    %get3A_132 = arith.constant 0 : index
    %get3A_133 = arith.constant 0 : index
    %get3A_134 = vector.load %arg12[%get3A_132, %get3A_133] : memref<1x256xf32, #tpu.memory_space<vmem>>, vector<1x256xf32>
    %mul3A_135 = vector.broadcast %broadcast_in_dim3A_120 : vector<256x1xf32> to vector<256x256xf32>
    %mul3A_136 = vector.broadcast %get3A_134 : vector<1x256xf32> to vector<256x256xf32>
    %mul3A_137 = arith.mulf %mul3A_135, %mul3A_136 : vector<256x256xf32>
    %add3A_138 = arith.addf %dot_general3A_131, %mul3A_137 : vector<256x256xf32>
    %swap3A = arith.constant 0 : index
    %swap3A_139 = arith.constant 0 : index
    %swap3A_140 = arith.constant 0 : index
    %swap3A_141 = vector.load %arg15[%swap3A, %swap3A_139, %swap3A_140] : memref<1x256x256xf32, #tpu.memory_space<vmem>>, vector<1x256x256xf32>
    %swap3A_142 = vector.shape_cast %swap3A_141 : vector<1x256x256xf32> to vector<256x256xf32>
    %swap3A_143 = vector.shape_cast %add3A_138 : vector<256x256xf32> to vector<1x256x256xf32>
    tpu.vector_store %arg15[%swap3A, %swap3A_139, %swap3A_140], %swap3A_143 {strides = array<i32>} : memref<1x256x256xf32, #tpu.memory_space<vmem>>, vector<1x256x256xf32>,
    return
  }
  func.func @transform_0(%arg0: i32) -> (i32, i32, i32) {
    %c0_i32 = arith.constant 0 : i32
    %c0_i32_0 = arith.constant 0 : i32
    %c0_i32_1 = arith.constant 0 : i32
    return %arg0, %c0_i32, %c0_i32_0 : i32, i32, i32
  }
  func.func @transform_1(%arg0: i32) -> (i32, i32, i32) {
    %c0_i32 = arith.constant 0 : i32
    %c0_i32_0 = arith.constant 0 : i32
    %c0_i32_1 = arith.constant 0 : i32
    return %arg0, %c0_i32, %c0_i32_0 : i32, i32, i32
  }
  func.func @transform_2(%arg0: i32) -> (i32, i32, i32) {
    %c0_i32 = arith.constant 0 : i32
    %c0_i32_0 = arith.constant 0 : i32
    %c0_i32_1 = arith.constant 0 : i32
    return %arg0, %c0_i32, %c0_i32_0 : i32, i32, i32
  }
  func.func @transform_3(%arg0: i32) -> (i32, i32, i32) {
    %c0_i32 = arith.constant 0 : i32
    %c0_i32_0 = arith.constant 0 : i32
    %c0_i32_1 = arith.constant 0 : i32
    return %arg0, %c0_i32, %c0_i32_0 : i32, i32, i32
  }
  func.func @transform_4(%arg0: i32) -> (i32, i32) {
    %c0_i32 = arith.constant 0 : i32
    %c0_i32_0 = arith.constant 0 : i32
    %c0_i32_1 = arith.constant 0 : i32
    return %c0_i32, %c0_i32_0 : i32, i32
  }
  func.func @transform_5(%arg0: i32) -> (i32, i32) {
    %c0_i32 = arith.constant 0 : i32
    %c0_i32_0 = arith.constant 0 : i32
    %c0_i32_1 = arith.constant 0 : i32
    return %c0_i32, %c0_i32_0 : i32, i32
  }
  func.func @transform_6(%arg0: i32) -> (i32, i32) {
    %c0_i32 = arith.constant 0 : i32
    %c0_i32_0 = arith.constant 0 : i32
    %c0_i32_1 = arith.constant 0 : i32
    return %c0_i32, %c0_i32_0 : i32, i32
  }
  func.func @transform_7(%arg0: i32) -> (i32, i32) {
    %c0_i32 = arith.constant 0 : i32
    %c0_i32_0 = arith.constant 0 : i32
    %c0_i32_1 = arith.constant 0 : i32
    return %c0_i32, %c0_i32_0 : i32, i32
  }
  func.func @transform_8(%arg0: i32) -> (i32, i32) {
    %c0_i32 = arith.constant 0 : i32
    %c0_i32_0 = arith.constant 0 : i32
    %c0_i32_1 = arith.constant 0 : i32
    return %c0_i32, %c0_i32_0 : i32, i32
  }
  func.func @transform_9(%arg0: i32) -> (i32, i32) {
    %c0_i32 = arith.constant 0 : i32
    %c0_i32_0 = arith.constant 0 : i32
    %c0_i32_1 = arith.constant 0 : i32
    return %c0_i32, %c0_i32_0 : i32, i32
  }
  func.func @transform_10(%arg0: i32) -> (i32, i32) {
    %c0_i32 = arith.constant 0 : i32
    %c0_i32_0 = arith.constant 0 : i32
    %c0_i32_1 = arith.constant 0 : i32
    return %c0_i32, %c0_i32_0 : i32, i32
  }
  func.func @transform_11(%arg0: i32) -> (i32, i32) {
    %c0_i32 = arith.constant 0 : i32
    %c0_i32_0 = arith.constant 0 : i32
    %c0_i32_1 = arith.constant 0 : i32
    return %c0_i32, %c0_i32_0 : i32, i32
  }
  func.func @transform_12(%arg0: i32) -> (i32, i32) {
    %c0_i32 = arith.constant 0 : i32
    %c0_i32_0 = arith.constant 0 : i32
    %c0_i32_1 = arith.constant 0 : i32
    return %c0_i32, %c0_i32_0 : i32, i32
  }
  func.func @transform_13(%arg0: i32) -> (i32, i32) {
    %c0_i32 = arith.constant 0 : i32
    %c0_i32_0 = arith.constant 0 : i32
    %c0_i32_1 = arith.constant 0 : i32
    return %c0_i32, %c0_i32_0 : i32, i32
  }
  func.func @transform_14(%arg0: i32) -> (i32, i32, i32) {
    %c0_i32 = arith.constant 0 : i32
    %c0_i32_0 = arith.constant 0 : i32
    %c0_i32_1 = arith.constant 0 : i32
    return %arg0, %c0_i32, %c0_i32_0 : i32, i32, i32
  }
}

</mosaic_0001>

<sc_bundles>
// kernel: kernel.5.cloned.1.call-start
scs
__scs_entry_jumppad:
0x0: {  	(pc) =	sbr.rel $0x88, $3  }
0x1: {  	(tag) =	ssettag $0x0;
	lr =	simm.s32 $0x1  }
0x2: {  	[smem:$0x3F93] =	sst lr;
	_ =	strace $0xD0000000  }
0x3: {  	_ = 	snop  }
0x4: {  	_ = 	snop  }
0x5: {  	_ = 	snop  }
0x6: {  	_ = 	snop  }
0x7: {  	_ = 	snop  }
__scs_overlays_trampoline_lowered:
0x8: {  	[smem:$0x3FA2] =	sst s0  }
0x9: {  	[smem:$0x3FA3] =	sst s1  }
0xa: {  	[smem:$0x3FA4] =	sst s2  }
0xb: {  	[smem:$0x3FA5] =	sst s3  }
0xc: {  	[smem:$0x3FA6] =	sst s4  }
0xd: {  	[smem:$0x3FA7] =	sst s5  }
0xe: {  	[smem:$0x3FA8] =	sst s6  }
0xf: {  	[smem:$0x3FA9] =	sst s7  }
0x10: {  	[smem:$0x3FAA] =	sst s8  }
0x11: {  	[smem:$0x3FAB] =	sst s9;
	s0 =	simm.s32 @!p0 $0x0  }
0x12: {  	s1 =	sld [smem:$0x3F91];
	s0 =	simm.s32 @p0 $0x1  }
0x13: {  	[smem:$0x3FAC] =	sst s0;
	s0 =	simm.s32 @!p1 $0x0  }
0x14: {  	s2 =	sld [smem:$0x3F90];
	s0 =	simm.s32 @p1 $0x1  }
0x15: {  	[smem:$0x3FAD] =	sst s0;
	s0 =	simm.s32 @!p2 $0x0  }
0x16: {  	s3 =	sld [smem:$0x3FDB];
	s0 =	simm.s32 @p2 $0x1  }
0x17: {  	s4 =	simm.s32 $0x1BF5;
	[smem:$0x3FAF] =	sst s0  }
0x18: {  	s0 =	sld [smem:$0x3F92];
	_ =	swait.ge [sflag:s4], $0x0  }
0x19: {  	s7 =	sld [smem:$0x3F93]  }
0x1a: {  	s8 =	sadd.s32 $0xFFFFE003, lr  }
0x1b: {  	s9 =	sadd.s32 $0xFFFFFEF7, lr;
	s5 =	simm.s32 $0xFFFFFFFF;
	p2 =	slt.u32 s8, $0xFFFFF086  }
0x1c: {  	p1 =	slt.u32 s9, $0xF7A;
	s5 =	simm.s32 @!p2 $0x0  }
0x1d: {  	s5 =	simm.s32 @p1 $0x1;
	p0 =	seq.s32 s7, s2  }
0x1e: {  	s7 =	smul.u32 @!p0 $0xF7A, s2;
	p2 =	seq.s32 @!p0 s5, $0x0  }
0x1f: {  	s9 =	smul.u32 $0xF7A, s1;
	s8 =	simm.s32 @!p0 $0x1BF5;
	p2 =	por !p2, p0  }
0x20: {  	[sflag:s8] =	ssyncset.s32 @!p0 $0xFFFFF086;
	s6 =	sadd.s32 @!p0 s3, s7;
	s7 =	simm.s32 @!p0 $0x108  }
0x21: {  	s3 =	sadd.s32 s3, s9;
	s6 =	sadd.s32 @!p0 $0x88, s6;
	s7 =	simm.s32 @p2 $0x1082  }
0x22: {  	[simem:s7], [sflag:s8] =	dma.local @!p0 [hbm:s6], $0xF7A  }
0x23: {  	s9 =	sor.u32 $0xD0000000, s2;
	s6 =	simm.s32 $0x108;
	_ =	swait.ge @!p0 [sflag:s8], $0x0  }
0x24: {  	s3 =	sadd.s32 $0x88, s3;
	s6 =	simm.s32 @!p1 $0x1082;
	[sflag:s4] =	ssyncset.s32 $0xFFFFF086  }
0x25: {  	[simem:s6], [sflag:s4] =	dma.local [hbm:s3], $0xF7A  }
0x26: {  	[smem:$0x3F93] =	sst s1;
	(tag) =	ssettag s2;
	_ =	strace s9  }
0x27: {  	s1 =	sld [smem:$0x3FA3]  }
0x28: {  	s2 =	sld [smem:$0x3FA4]  }
0x29: {  	s4 =	sld [smem:$0x3FA6]  }
0x2a: {  	p0 =	seq.s32 s5, $0x0;
	s5 =	sld [smem:$0x3FA7]  }
0x2b: {  	s6 =	sld [smem:$0x3FA8]  }
0x2c: {  	s7 =	sld [smem:$0x3FA9]  }
0x2d: {  	s3 =	simm.s32 $0x108;
	s8 =	sld [smem:$0x3FAA]  }
0x2e: {  	s3 =	simm.s32 @!p0 $0x1082;
	s9 =	sld [smem:$0x3FAB]  }
0x2f: {  	lr =	sadd.s32 s0, s3;
	s0 =	sld [smem:$0x3FA2]  }
0x30: {  	s3 =	sld [smem:$0x3FA5]  }
0x31: {  	[smem:$0x3FAE] =	sst s10  }
0x32: {  	s10 =	sld [smem:$0x3FAC];
	_ =	sdelay $0x3  }
0x33: {  	p0 =	seq.s32 s10, $0x1;
	s10 =	sld [smem:$0x3FAE];
	_ =	sdelay $0x3  }
0x34: {  	[smem:$0x3FAE] =	sst s10  }
0x35: {  	s10 =	sld [smem:$0x3FAD];
	_ =	sdelay $0x3  }
0x36: {  	p1 =	seq.s32 s10, $0x1;
	s10 =	sld [smem:$0x3FAE];
	_ =	sdelay $0x3  }
0x37: {  	[smem:$0x3FAE] =	sst s10  }
0x38: {  	s10 =	sld [smem:$0x3FAF]  }
0x39: {  	_ = 	snop;
	(pc) =	sbr.ind lr, $3  }
0x3a: {  	_ = 	snop  }
0x3b: {  	_ = 	snop  }
0x3c: {  	p2 =	seq.s32 s10, $0x1;
	s10 =	sld [smem:$0x3FAE]  }
0x3d: {  	_ =	shalt  }
0x3e: {  	_ =	shalt  }
0x3f: {  	_ =	shalt  }
0x40: {  	_ =	shalt  }
0x41: {  	_ =	shalt  }
0x42: {  	_ =	shalt  }
0x43: {  	_ =	shalt  }
0x44: {  	_ =	shalt  }
0x45: {  	_ =	shalt  }
0x46: {  	_ =	shalt  }
0x47: {  	_ =	shalt  }
0x48: {  	_ =	shalt  }
0x49: {  	_ =	shalt  }
0x4a: {  	_ =	shalt  }
0x4b: {  	_ =	shalt  }
0x4c: {  	_ =	shalt  }
0x4d: {  	_ =	shalt  }
0x4e: {  	_ =	shalt  }
0x4f: {  	_ =	shalt  }
0x50: {  	_ =	shalt  }
0x51: {  	_ =	shalt  }
0x52: {  	_ =	shalt  }
0x53: {  	_ =	shalt  }
0x54: {  	_ =	shalt  }
0x55: {  	_ =	shalt  }
0x56: {  	_ =	shalt  }
0x57: {  	_ =	shalt  }
0x58: {  	_ =	shalt  }
0x59: {  	_ =	shalt  }
0x5a: {  	_ =	shalt  }
0x5b: {  	_ =	shalt  }
0x5c: {  	_ =	shalt  }
0x5d: {  	_ =	shalt  }
0x5e: {  	_ =	shalt  }
0x5f: {  	_ =	shalt  }
0x60: {  	_ =	shalt  }
0x61: {  	_ =	shalt  }
0x62: {  	_ =	shalt  }
0x63: {  	_ =	shalt  }
0x64: {  	_ =	shalt  }
0x65: {  	_ =	shalt  }
0x66: {  	_ =	shalt  }
0x67: {  	_ =	shalt  }
0x68: {  	_ =	shalt  }
0x69: {  	_ =	shalt  }
0x6a: {  	_ =	shalt  }
0x6b: {  	_ =	shalt  }
0x6c: {  	_ =	shalt  }
0x6d: {  	_ =	shalt  }
0x6e: {  	_ =	shalt  }
0x6f: {  	_ =	shalt  }
0x70: {  	_ =	shalt  }
0x71: {  	_ =	shalt  }
0x72: {  	_ =	shalt  }
0x73: {  	_ =	shalt  }
0x74: {  	_ =	shalt  }
0x75: {  	_ =	shalt  }
0x76: {  	_ =	shalt  }
0x77: {  	_ =	shalt  }
0x78: {  	_ =	shalt  }
0x79: {  	_ =	shalt  }
0x7a: {  	_ =	shalt  }
0x7b: {  	_ =	shalt  }
0x7c: {  	_ =	shalt  }
0x7d: {  	_ =	shalt  }
0x7e: {  	_ =	shalt  }
0x7f: {  	_ =	shalt  }
0x80: {  	_ =	shalt  }
0x81: {  	_ =	shalt  }
0x82: {  	_ =	shalt  }
0x83: {  	_ =	shalt  }
0x84: {  	_ =	shalt  }
0x85: {  	_ =	shalt  }
0x86: {  	_ =	shalt  }
0x87: {  	_ =	shalt  }
.Lfunc_end0:
.L_simem_size_0:
called_computation_lowered:
.L_overlay_start_0:
0x88: {  	s2 =	sld [smem:$0x3FD9]  }
0x89: {  	s3 =	sld [smem:$0x3FFE];
	_ =	sdelay $0x1  }
0x8a: {  	s1 =	srdreg.scid  }
0x8b: {  	s0 =	sand.u32 $0x1, s1  }
0x8c: {  	s17 =	sshll.u32 s0, $0xA;
	s2 =	sadd.s32 s3, s2  }
0x8d: {  	s2 =	sadd.s32 s2, s17  }
0x8e: {  	[smem:$0x3FBA] =	sst s2  }
0x8f: {  	_ = 	snop  }
0x90: {  	s2 =	sld [smem:$0x3FC8]  }
0x91: {  	s18 =	sld [smem:$0x3FD0];
	(tm) =	ssettm $0x1  }
0x92: {  	s4 =	sld [smem:$0x3FFB];
	_ =	sdelay $0x3  }
0x93: {  	_ =	strace s4  }
0x94: {  	s4 =	sld [smem:$0x3FFC];
	_ =	sdelay $0x3  }
0x95: {  	_ =	strace s4  }
0x96: {  	s4 =	sld [smem:$0x3FFD];
	_ =	sdelay $0x3  }
0x97: {  	_ =	strace s4  }
0x98: {  	_ =	strace $0x8FFFFFFF  }
0x99: {  	s19 =	sld [smem:$0x3FDB];
	_ =	sdelay $0x1  }
0x9a: {  	s5 =	simm.s32 $_scs_section_size  }
0x9b: {  	s6 =	simm.s32 $_size__tile_overlayer_lowered;
	s7 =	simm.s32 $_tile_overlayer_lowered  }
0x9c: {  	s22 =	simm.s32 $0x1BFF;
	s21 =	sshll.u32 s7, $0x1;
	s4 =	sadd.s32 s5, s19  }
0x9d: {  	s8 =	simm.s32 $0x0;
	s20 =	sshll.u32 s6, $0x1;
	s6 =	sadd.s32 s21, s4  }
0x9e: {  	[timem:s8], [sflag:s22] =	dma.local [hbm:s6], s20  }
0x9f: {  	_ =	swait.ge [sflag:s22], s20  }
0xa0: {  	s5 =	ssub.s32 $0x0, s20;
	[sflag:s22] =	ssyncset.done $0x0  }
0xa1: {  	[sflag:s22] =	ssyncadd.s32 s5;
	_ =	sdelay $0x1  }
0xa2: {  	s23 =	simm.s32 $0x1B8B  }
0xa3: {  	_ =	swait.ge [sflag:s23], $0x1  }
0xa4: {  	[sflag:s23] =	ssyncset.done $0x0  }
0xa5: {  	s25 =	simm.s32 $0x1B8E;
	s24 =	sld [smem:$0x3FFE];
	[sflag:s23] =	ssyncadd.s32 $0xFFFFFFFF  }
0xa6: {  	s26 =	simm.s32 $execute0_lowered;
	[smem:$0x3FD2] =	sst s25  }
0xa7: {  	s6 =	sshll.u32 s26, $0x1;
	_ =	strace $0x80000046;
	[dreg:$0x1] =	wrdreg $0xFFFFFFFF  }
0xa8: {  	s28 =	simm.s32 $_size_execute0_lowered;
	s4 =	sadd.s32 s4, s6;
	[dreg:$0x0] =	wrdreg $0x0  }
0xa9: {  	s6 =	sshll.u32 s28, $0x1;
	[dreg:$0x2] =	wrdreg s4  }
0xaa: {  	[dreg:$0x3] =	wrdreg s6  }
0xab: {  	[dreg:$0x4] =	wrdreg $0xC0  }
0xac: {  	_ =	task [dreg:s8], $0x5FFFF  }
0xad: {  	[dreg:$0x1] =	wrdreg $0xFFFFFFFF  }
0xae: {  	[dreg:$0x0] =	wrdreg $0x60  }
0xaf: {  	[dreg:$0x2] =	wrdreg s2  }
0xb0: {  	[dreg:$0x3] =	wrdreg s24  }
0xb1: {  	[dreg:$0x4] =	wrdreg s18  }
0xb2: {  	[dreg:$0x5] =	wrdreg $0x9  }
0xb3: {  	_ =	task.clear_ibuf [dreg:s8], $0x6FFFF;
	_ =	strace $0x90000046  }
0xb4: {  	s29 =	simm.s32 $0x9;
	_ =	strace $0x80000048  }
0xb5: {  	_ =	swait.ge [sflag:s29], $0x1  }
0xb6: {  	[sflag:s29] =	ssyncadd.s32 $0xFFFFFFFF  }
0xb7: {  	_ =	strace $0x90000048  }
0xb8: {  	_ =	sfence  }
0xb9: {  	s30 =	sld [smem:$0x0];
	_ =	sdelay $0x2  }
0xba: {  	s31 =	sshll.u32 s1, $0xD;
	s1 =	sshrl.u32 s1, $0x2  }
0xbb: {  	s3 =	sand.u32 $0x4000, s31;
	s1 =	sadd.s32 s1, s30  }
0xbc: {  	s0 =	sor.u32 s3, s0;
	s1 =	sshll.u32 s1, $0x11  }
0xbd: {  	s0 =	sor.u32 s1, s0  }
0xbe: {  	s0 =	sadd.s32 $0x8F2B, s0  }
0xbf: {  	[sflag:s0] =	ssyncadd.remote.s32 $0x1  }
0xc0: {  	_ =	sfence.sel $0xFFFF  }
0xc1: {  	[dreg:$0x0] =	wrdreg $0xFFFFFFFF;
	(pc) =	sbr.abs _section_cstart, $3  }
0xc2: {  	[dreg:$0x1] =	wrdreg $0xFFFFFFFF  }
0xc3: {  	_ =	task.clear_ibuf [dreg:s8], $0x2FFFF;
	_ =	strace $0x9FFFFFFF  }
0xc4: {  	(tm) =	ssettm $0x7FFFFFFF  }
0xc5: {  	_ =	shalt  }
tec
execute0_lowered:
.L_overlay_start_1:
0x0: {  	(tag) =	ssettag $0x1  }
0x1: {  	s2 =	rddreg [dreg:$0x0]  }
0x2: {  	s0 =	rddreg [dreg:$0x1]  }
0x3: {  	s1 =	rddreg [dreg:$0x2];
	s8 =	stileid.u32;
	s3 =	simm.s32 $0x0  }
0x4: {  	s5 =	srdreg.scid;
	s14 =	simm.s32 $0x2;
	s15 =	simm.s32 $0x4000  }
0x5: {  	s16 =	simm.s32 $0x8000;
	s18 =	simm.s32 $0xC200;
	s19 =	simm.s32 $0xC280  }
0x6: {  	s20 =	simm.s32 $0xC300;
	s28 =	simm.s32 $0x1;
	s29 =	simm.s32 $0x0  }
0x7: {  	s4 =	sshll.u32 s8, $0xC;
	s9 =	sand.u32 $0x1, s5;
	s21 =	sshll.u32 s8, $0x1  }
0x8: {  	[smem:$0x7FF] =	sst s3;
	s23 =	sshll.u32 s8, $0xF;
	s17 =	sand.u32 $0xC000, s4  }
0x9: {  	s7 =	sor.u32 s9, s21;
	_ =	strace $0x80000047;
	s24 =	ssub.s32 $0x2, s9  }
0xa: {  	s11 =	sadd.s32 s23, s0;
	s31 =	sshll.u32 s9, $0xE;
	s21 =	simm.s32 $0xC580  }
0xb: {  	s23 =	simm.s32 $0x1C580;
	s22 =	sshrl.u32 s17, $0x3;
	s4 =	sshll.u32 s7, $0x2  }
0xc: {  	s25 =	sshll.u32 s7, $0xD;
	s26 =	sshrl.u32 s24, $0x1;
	s7 =	sshll.u32 s7, $0x6  }
0xd: {  	v1 =	vmov s17;
	s17 =	simm.s32 $0xC000;
	s6 =	sadd.s32 s22, s0;
	s10 =	sadd.s32 s4, s0  }
0xe: {  	s0 =	sadd.s32 s25, s0;
	s12 =	ssub.s32 s24, s26;
	s7 =	sadd.s32 s1, s7  }
0xf: {  	s1 =	sadd.s32 s31, s11;
	s22 =	simm.s32 $0xC380;
	s24 =	simm.s32 $0x1CD80  }
0x10: {  	v0 =	vlaneseq.u32;
	v10 =	vimm.f32 $0.0e+00;
	vm0 =	vmmov $0xffff;
	s25 =	simm.s32 $0x1D580;
	s26 =	simm.s32 $0x1DD80;
	s30 =	sadd.s32 $0x2400, s6  }
0x11: {  	v2 =	vmul.u32 $0xFFFFFFFF, v0;
	v3 =	vor.u32 $0x10, v0;
	v4 =	vor.u32 $0x20, v0;
	s5 =	sadd.s32 $0x4400, s6;
	s6 =	sadd.s32 $0x6400, s6;
	s8 =	sadd.s32 $0x8400, s10  }
0x12: {  	v5 =	vor.u32 $0x30, v0;
	v6 =	vor.u32 $0x40, v0;
	v7 =	vor.u32 $0x50, v0;
	s9 =	sadd.s32 $0x8600, s10;
	s10 =	sadd.s32 $0x8800, s10;
	s11 =	sadd.s32 $0x8A00, s0  }
0x13: {  	v8 =	vor.u32 $0x60, v0;
	v9 =	vor.u32 $0x70, v0;
	v2 =	vadd.s32 $0xF, v2;
	s12 =	smax.u32 s12, $0x1;
	s13 =	sadd.s32 $0x48A00, s1;
	[dreg:$0x4] =	wrdreg s30  }
.LBB2_1:
0x14: {  	s0 =	rddreg [dreg:$0x4]  }
0x15: {  	[tilespmem:s3], [sflag:$0x2] =	stream.linear.gather [hbm4b:s0+s3], $0x4000, $0x38;
	[tilespmem:$0x1E580] =	vst v63  }
0x16: {  	_ =	swait.ge [sflag:s14], $0x4000  }
0x17: {  	[sflag:s14] =	ssyncset.done $0x0  }
0x18: {  	[sflag:s14] =	ssyncadd.s32 $0xFFFFC000  }
0x19: {  	[tilespmem:s15], [sflag:$0x2] =	stream.linear.gather [hbm4b:s5+s3], $0x4000, $0x38;
	[tilespmem:$0x1E580] =	vst v63  }
0x1a: {  	_ =	swait.ge [sflag:s14], $0x4000  }
0x1b: {  	[sflag:s14] =	ssyncset.done $0x0  }
0x1c: {  	[sflag:s14] =	ssyncadd.s32 $0xFFFFC000  }
0x1d: {  	[tilespmem:s16], [sflag:$0x2] =	stream.linear.gather [hbm4b:s6+s3], $0x4000, $0x38;
	[tilespmem:$0x1E580] =	vst v63  }
0x1e: {  	_ =	swait.ge [sflag:s14], $0x4000  }
0x1f: {  	[sflag:s14] =	ssyncset.done $0x0  }
0x20: {  	[sflag:s14] =	ssyncadd.s32 $0xFFFFC000  }
0x21: {  	[tilespmem:s17], [sflag:$0x2] =	stream.linear.gather [hbm4b:s7+s3], $0x200, $0x38;
	[tilespmem:$0x1E580] =	vst v63  }
0x22: {  	_ =	swait.ge [sflag:s14], $0x200  }
0x23: {  	[sflag:s14] =	ssyncset.done $0x0  }
0x24: {  	[sflag:s14] =	ssyncadd.s32 $0xFFFFFE00  }
0x25: {  	[tilespmem:s18], [sflag:$0x2] =	stream.linear.gather [hbm4b:s8+s3], $0x20, $0x38;
	[tilespmem:$0x1E580] =	vst v63  }
0x26: {  	_ =	swait.ge [sflag:s14], $0x20  }
0x27: {  	[sflag:s14] =	ssyncset.done $0x0  }
0x28: {  	[sflag:s14] =	ssyncadd.s32 $0xFFFFFFE0  }
0x29: {  	[tilespmem:s19], [sflag:$0x2] =	stream.linear.gather [hbm4b:s9+s3], $0x20, $0x38;
	[tilespmem:$0x1E580] =	vst v63  }
0x2a: {  	_ =	swait.ge [sflag:s14], $0x20  }
0x2b: {  	[sflag:s14] =	ssyncset.done $0x0  }
0x2c: {  	[sflag:s14] =	ssyncadd.s32 $0xFFFFFFE0  }
0x2d: {  	[tilespmem:s20], [sflag:$0x2] =	stream.linear.gather [hbm4b:s10+s3], $0x20, $0x38;
	[tilespmem:$0x1E580] =	vst v63  }
0x2e: {  	_ =	swait.ge [sflag:s14], $0x20  }
0x2f: {  	[sflag:s14] =	ssyncset.done $0x0  }
0x30: {  	s30 =	simm.s32 $0x0;
	s31 =	simm.s32 $0x0;
	[sflag:s14] =	ssyncadd.s32 $0xFFFFFFE0  }
.LBB2_2:
0x31: {  	s0 =	sadd.s32 $0x0, s30  }
0x32: {  	v11 =	vmov s0;
	_ =	sdelay $0x2  }
0x33: {  	v12 =	vmov s31;
	_ =	sdelay $0x1  }
0x34: {  	v11 =	vld.idx.msk [tilespmem:v11+s17+$0x0], $0xffff;
	_ =	sdelay $0x2  }
0x35: {  	v13 =	vld.idx.msk [tilespmem:v12+s18+$0x0], $0xffff  }
0x36: {  	v14 =	vld.idx.msk [tilespmem:v12+s19+$0x0], $0xffff  }
0x37: {  	v15 =	vshll.u32 v11, $0x7  }
0x38: {  	v16 =	vor.u32 v0, v15  }
0x39: {  	v11 =	vld.idx.msk [tilespmem:v12+s20+$0x0], $0xffff;
	_ =	sdelay $0x1  }
0x3a: {  	v17 =	vmul.f32 v14, v14;
	v12 =	vmul.f32 v13, v13;
	_ =	sdelay $0x1  }
0x3b: {  	v17 =	vadd.f32 v17, v12;
	v12 =	vshrl.u32 v13, $0x10;
	v19 =	vld.idx.msk [tilespmem:v16+s3+$0x0], $0xffff  }
0x3c: {  	v20 =	vshrl.u32 v14, $0x10;
	v12 =	vand.u32 $0x1, v12;
	v21 =	vshrl.u32 v11, $0x10;
	v22 =	vld.idx.msk [tilespmem:v16+s15+$0x0], $0xffff  }
0x3d: {  	v20 =	vand.u32 $0x1, v20;
	v12 =	vadd.s32 v12, v13;
	v21 =	vand.u32 $0x1, v21  }
0x3e: {  	v13 =	vadd.s32 v20, v14;
	v18 =	vmul.f32 v11, v11;
	v14 =	vld.idx.msk [tilespmem:v16+s16+$0x0], $0xffff;
	v11 =	vadd.s32 v21, v11  }
0x3f: {  	v12 =	vadd.s32 $0x7FFF, v12;
	v13 =	vadd.s32 $0x7FFF, v13;
	v11 =	vadd.s32 $0x7FFF, v11  }
0x40: {  	v12 =	vand.u32 $0xFFFF0000, v12;
	v13 =	vand.u32 $0xFFFF0000, v13;
	v11 =	vand.u32 $0xFFFF0000, v11  }
0x41: {  	v20 =	vmul.f32 v19, v19;
	v21 =	vshrl.u32 v19, $0x10;
	v23 =	vshrl.u32 v22, $0x10  }
0x42: {  	v24 =	vmul.f32 v22, v22;
	v21 =	vand.u32 $0x1, v21;
	v23 =	vand.u32 $0x1, v23  }
0x43: {  	v19 =	vadd.s32 v21, v19;
	v21 =	vadd.s32 v23, v22;
	v22 =	vshrl.u32 v14, $0x10  }
0x44: {  	v19 =	vadd.s32 $0x7FFF, v19;
	v21 =	vadd.s32 $0x7FFF, v21;
	v22 =	vand.u32 $0x1, v22  }
0x45: {  	v19 =	vand.u32 $0xFFFF0000, v19;
	v21 =	vand.u32 $0xFFFF0000, v21;
	v22 =	vadd.s32 v22, v14  }
0x46: {  	v19 =	vmul.f32 v19, v12;
	v21 =	vmul.f32 v21, v13;
	v22 =	vadd.s32 $0x7FFF, v22  }
0x47: {  	v25 =	vmul.f32 v14, v14;
	v23 =	vor.u32 v3, v15;
	v14 =	vand.u32 $0xFFFF0000, v22  }
0x48: {  	v20 =	vadd.f32 v24, v20;
	v19 =	vadd.f32 v21, v19;
	v21 =	vmul.f32 v14, v11  }
0x49: {  	v14 =	vadd.f32 v18, v17  }
0x4a: {  	v17 =	vadd.f32 v25, v20;
	v18 =	vadd.f32 v21, v19;
	_ =	sdelay $0x1  }
0x4b: {  	v20 =	vld.idx.msk [tilespmem:v23+s15+$0x0], $0xffff;
	v17 =	vadd.f32 v17, v14;
	v18 =	vadd.f32 v18, v18  }
0x4c: {  	v19 =	vld.idx.msk [tilespmem:v23+s3+$0x0], $0xffff  }
0x4d: {  	v17 =	vsub.f32 v17, v18  }
0x4e: {  	v18 =	vld.idx.msk [tilespmem:v23+s16+$0x0], $0xffff  }
0x4f: {  	(xrf1) =	vsort.ascd.msk.f32 $0xffff, v17, v16;
	_ =	sdelay $0x1  }
0x50: {  	v21 =	vshrl.u32 v20, $0x10;
	v22 =	vmul.f32 v20, v20;
	v17 =	vshrl.u32 v19, $0x10  }
0x51: {  	v21 =	vand.u32 $0x1, v21;
	v16 =	vmul.f32 v19, v19;
	v17 =	vand.u32 $0x1, v17  }
0x52: {  	v17 =	vadd.s32 v17, v19;
	v19 =	vadd.s32 v21, v20;
	v20 =	vshrl.u32 v18, $0x10  }
0x53: {  	v17 =	vadd.s32 $0x7FFF, v17;
	v19 =	vadd.s32 $0x7FFF, v19;
	v20 =	vand.u32 $0x1, v20  }
0x54: {  	v17 =	vand.u32 $0xFFFF0000, v17;
	v19 =	vand.u32 $0xFFFF0000, v19;
	v20 =	vadd.s32 v20, v18  }
0x55: {  	v17 =	vmul.f32 v17, v12;
	v19 =	vmul.f32 v19, v13;
	v20 =	vadd.s32 $0x7FFF, v20  }
0x56: {  	v21 =	vor.u32 v4, v15;
	v16 =	vadd.f32 v22, v16;
	v20 =	vand.u32 $0xFFFF0000, v20  }
0x57: {  	v18 =	vmul.f32 v18, v18;
	v17 =	vadd.f32 v19, v17;
	v19 =	vmul.f32 v20, v11;
	_ =	sdelay $0x1  }
0x58: {  	v16 =	vadd.f32 v18, v16;
	v17 =	vadd.f32 v19, v17;
	_ =	sdelay $0x1  }
0x59: {  	v18 =	vld.idx.msk [tilespmem:v21+s3+$0x0], $0xffff;
	v16 =	vadd.f32 v16, v14;
	v17 =	vadd.f32 v17, v17  }
0x5a: {  	v19 =	vld.idx.msk [tilespmem:v21+s15+$0x0], $0xffff;
	v20, v22, _ =	vpop (xrf1)  }
0x5b: {  	v16 =	vsub.f32 v16, v17;
	v20 =	vperm.xlane v20, v2  }
0x5c: {  	v46 =	vld.idx.msk [tilespmem:v21+s16+$0x0], $0xffff;
	v17 =	vimm.f32 $+Inf;
	v22 =	vperm.xlane v22, v2  }
0x5d: {  	v47 =	vimm.s32 $0x0;
	(xrf1) =	vsort.ascd.msk.f32 $0xffff, v16, v23;
	vm1 =	vle.f32 v17, v20  }
0x5e: {  	v16 =	vmin.f32 v17, v20;
	v17 =	vsel vm1, v47, v22;
	v22 =	vshrl.u32 v18, $0x10  }
0x5f: {  	v23 =	vshrl.u32 v19, $0x10;
	v20 =	vmul.f32 v18, v18;
	(xrf1) =	vsort.ascd.msk.f32 $0xffff, v16, v17;
	v17 =	vand.u32 $0x1, v22  }
0x60: {  	v16 =	vmul.f32 v19, v19;
	v22 =	vand.u32 $0x1, v23;
	v17 =	vadd.s32 v17, v18  }
0x61: {  	v18 =	vadd.s32 v22, v19;
	v19 =	vshrl.u32 v46, $0x10;
	v22 =	vor.u32 v5, v15  }
0x62: {  	v17 =	vadd.s32 $0x7FFF, v17;
	v18 =	vadd.s32 $0x7FFF, v18;
	v19 =	vand.u32 $0x1, v19  }
0x63: {  	v17 =	vand.u32 $0xFFFF0000, v17;
	v18 =	vand.u32 $0xFFFF0000, v18;
	v19 =	vadd.s32 v19, v46  }
0x64: {  	v17 =	vmul.f32 v17, v12;
	v18 =	vmul.f32 v18, v13;
	v19 =	vadd.s32 $0x7FFF, v19  }
0x65: {  	v23 =	vmul.f32 v46, v46;
	v19 =	vand.u32 $0xFFFF0000, v19  }
0x66: {  	v16 =	vadd.f32 v16, v20;
	v17 =	vadd.f32 v18, v17;
	v18 =	vmul.f32 v19, v11;
	_ =	sdelay $0x1  }
0x67: {  	v16 =	vadd.f32 v23, v16;
	v19 =	vld.idx.msk [tilespmem:v22+s15+$0x0], $0xffff;
	v17 =	vadd.f32 v18, v17  }
0x68: {  	v18 =	vld.idx.msk [tilespmem:v22+s3+$0x0], $0xffff  }
0x69: {  	v16 =	vadd.f32 v16, v14;
	v17 =	vadd.f32 v17, v17  }
0x6a: {  	v20, v23, _ =	vpop (xrf1)  }
0x6b: {  	v20 =	vperm.xlane v20, v2;
	v16 =	vsub.f32 v16, v17;
	v17 =	vld.idx.msk [tilespmem:v22+s16+$0x0], $0xffff  }
0x6c: {  	v23 =	vperm.xlane v23, v2;
	v49, v48, _ =	vpop (xrf1)  }
0x6d: {  	v50 =	vshrl.u32 v19, $0x10;
	(xrf1) =	vsort.ascd.msk.f32 $0xffff, v16, v21;
	v21 =	vmul.f32 v18, v18;
	vm1 =	vle.f32 v49, v20  }
0x6e: {  	v16 =	vmin.f32 v49, v20;
	v20 =	vsel vm1, v48, v23;
	v23 =	vshrl.u32 v18, $0x10  }
0x6f: {  	(xrf1) =	vsort.ascd.msk.f32 $0xffff, v16, v20;
	v16 =	vmul.f32 v19, v19;
	v20 =	vand.u32 $0x1, v23;
	v23 =	vand.u32 $0x1, v50  }
0x70: {  	v18 =	vadd.s32 v20, v18;
	v19 =	vadd.s32 v23, v19;
	v20 =	vshrl.u32 v17, $0x10  }
0x71: {  	v18 =	vadd.s32 $0x7FFF, v18;
	v19 =	vadd.s32 $0x7FFF, v19;
	v20 =	vand.u32 $0x1, v20  }
0x72: {  	v18 =	vand.u32 $0xFFFF0000, v18;
	v19 =	vand.u32 $0xFFFF0000, v19;
	v20 =	vadd.s32 v20, v17  }
0x73: {  	v18 =	vmul.f32 v18, v12;
	v19 =	vmul.f32 v19, v13;
	v20 =	vadd.s32 $0x7FFF, v20  }
0x74: {  	v16 =	vadd.f32 v16, v21;
	v17 =	vmul.f32 v17, v17;
	v20 =	vand.u32 $0xFFFF0000, v20  }
0x75: {  	v18 =	vadd.f32 v19, v18;
	v19 =	vmul.f32 v20, v11;
	v20 =	vor.u32 v6, v15;
	_ =	sdelay $0x1  }
0x76: {  	v16 =	vadd.f32 v17, v16;
	v17 =	vadd.f32 v19, v18;
	_ =	sdelay $0x1  }
0x77: {  	v16 =	vadd.f32 v16, v14;
	v17 =	vadd.f32 v17, v17  }
0x78: {  	v21 =	vld.idx.msk [tilespmem:v20+s3+$0x0], $0xffff  }
0x79: {  	v18, v19, _ =	vpop (xrf1);
	v16 =	vsub.f32 v16, v17;
	v17 =	vld.idx.msk [tilespmem:v20+s15+$0x0], $0xffff  }
0x7a: {  	v18 =	vperm.xlane v18, v2  }
0x7b: {  	v19 =	vperm.xlane v19, v2;
	v23, v24, _ =	vpop (xrf1)  }
0x7c: {  	(xrf1) =	vsort.ascd.msk.f32 $0xffff, v16, v22;
	v16 =	vld.idx.msk [tilespmem:v20+s16+$0x0], $0xffff;
	vm1 =	vle.f32 v23, v18  }
0x7d: {  	v18 =	vmin.f32 v23, v18;
	v19 =	vsel vm1, v24, v19  }
0x7e: {  	v22 =	vshrl.u32 v21, $0x10;
	(xrf1) =	vsort.ascd.msk.f32 $0xffff, v18, v19;
	v19 =	vmul.f32 v21, v21;
	v23 =	vshrl.u32 v17, $0x10  }
0x7f: {  	v51 =	vmul.f32 v17, v17;
	v22 =	vand.u32 $0x1, v22;
	v23 =	vand.u32 $0x1, v23  }
0x80: {  	v18 =	vor.u32 v7, v15;
	v21 =	vadd.s32 v22, v21;
	v17 =	vadd.s32 v23, v17  }
0x81: {  	v22 =	vshrl.u32 v16, $0x10;
	v21 =	vadd.s32 $0x7FFF, v21;
	v19 =	vadd.f32 v51, v19  }
0x82: {  	v17 =	vadd.s32 $0x7FFF, v17;
	v22 =	vand.u32 $0x1, v22;
	v21 =	vand.u32 $0xFFFF0000, v21  }
0x83: {  	v17 =	vand.u32 $0xFFFF0000, v17;
	v22 =	vadd.s32 v22, v16;
	v21 =	vmul.f32 v21, v12  }
0x84: {  	v16 =	vmul.f32 v16, v16;
	v17 =	vmul.f32 v17, v13;
	v22 =	vadd.s32 $0x7FFF, v22  }
0x85: {  	v52 =	vld.idx.msk [tilespmem:v18+s16+$0x0], $0xffff;
	v22 =	vand.u32 $0xFFFF0000, v22  }
0x86: {  	v16 =	vadd.f32 v16, v19;
	v19 =	vld.idx.msk [tilespmem:v18+s3+$0x0], $0xffff;
	v17 =	vadd.f32 v17, v21;
	v21 =	vmul.f32 v22, v11;
	_ =	sdelay $0x1  }
0x87: {  	v17 =	vadd.f32 v21, v17;
	v21 =	vld.idx.msk [tilespmem:v18+s15+$0x0], $0xffff;
	_ =	sdelay $0x1  }
0x88: {  	v16 =	vadd.f32 v16, v14;
	v57 =	vshrl.u32 v52, $0x10;
	v22, v23, _ =	vpop (xrf1)  }
0x89: {  	v17 =	vadd.f32 v17, v17;
	v54 =	vshrl.u32 v19, $0x10;
	v22 =	vperm.xlane v22, v2  }
0x8a: {  	v27 =	vmul.f32 v19, v19;
	v23 =	vperm.xlane v23, v2;
	v25 =	vand.u32 $0x1, v54;
	v53, v26, _ =	vpop (xrf1)  }
0x8b: {  	v16 =	vsub.f32 v16, v17;
	v55 =	vshrl.u32 v21, $0x10;
	vm1 =	vle.f32 v53, v22  }
0x8c: {  	v17 =	vor.u32 v8, v15;
	v23 =	vsel vm1, v26, v23;
	v26 =	vand.u32 $0x1, v55  }
0x8d: {  	v19 =	vadd.s32 v25, v19;
	v56 =	vmul.f32 v21, v21;
	v21 =	vadd.s32 v26, v21  }
0x8e: {  	v19 =	vadd.s32 $0x7FFF, v19;
	v26 =	vand.u32 $0x1, v57;
	v21 =	vadd.s32 $0x7FFF, v21  }
0x8f: {  	v19 =	vand.u32 $0xFFFF0000, v19;
	v26 =	vadd.s32 v26, v52;
	v21 =	vand.u32 $0xFFFF0000, v21  }
0x90: {  	(xrf1) =	vsort.ascd.msk.f32 $0xffff, v16, v20;
	v16 =	vmul.f32 v19, v12;
	v20 =	vadd.s32 $0x7FFF, v26;
	v19 =	vmul.f32 v21, v13  }
0x91: {  	v20 =	vand.u32 $0xFFFF0000, v20  }
0x92: {  	v22 =	vmin.f32 v53, v22;
	v16 =	vadd.f32 v19, v16;
	v19 =	vmul.f32 v20, v11  }
0x93: {  	(xrf1) =	vsort.ascd.msk.f32 $0xffff, v22, v23;
	v22 =	vadd.f32 v56, v27;
	v21 =	vmul.f32 v52, v52  }
0x94: {  	v16 =	vadd.f32 v19, v16;
	v19 =	vld.idx.msk [tilespmem:v17+s15+$0x0], $0xffff  }
0x95: {  	v20 =	vld.idx.msk [tilespmem:v17+s3+$0x0], $0xffff;
	v21 =	vadd.f32 v21, v22;
	_ =	sdelay $0x1  }
0x96: {  	v21 =	vadd.f32 v21, v14;
	v16 =	vadd.f32 v16, v16;
	_ =	sdelay $0x1  }
0x97: {  	v21 =	vsub.f32 v21, v16;
	v58 =	vshrl.u32 v19, $0x10  }
0x98: {  	v16 =	vor.u32 v9, v15;
	v15 =	vshrl.u32 v20, $0x10;
	v24 =	vand.u32 $0x1, v58  }
0x99: {  	v15 =	vand.u32 $0x1, v15;
	v60 =	vmul.f32 v19, v19;
	v19 =	vadd.s32 v24, v19  }
0x9a: {  	v15 =	vadd.s32 v15, v20;
	v19 =	vadd.s32 $0x7FFF, v19  }
0x9b: {  	v15 =	vadd.s32 $0x7FFF, v15;
	v19 =	vand.u32 $0xFFFF0000, v19  }
0x9c: {  	v15 =	vand.u32 $0xFFFF0000, v15;
	v19 =	vmul.f32 v19, v13  }
0x9d: {  	v15 =	vmul.f32 v15, v12;
	_ =	sdelay $0x1  }
0x9e: {  	v62, v61, _ =	vpop (xrf1)  }
0x9f: {  	v24 =	vperm.xlane v62, v2  }
0xa0: {  	v22 =	vld.idx.msk [tilespmem:v17+s16+$0x0], $0xffff;
	v27 =	vperm.xlane v61, v2;
	v63 =	vadd.f32 v19, v15;
	v15, v19, _ =	vpop (xrf1)  }
0xa1: {  	(xrf1) =	vsort.ascd.msk.f32 $0xffff, v21, v18;
	vm1 =	vle.f32 v15, v24  }
0xa2: {  	v18 =	vmin.f32 v15, v24;
	v19 =	vsel vm1, v19, v27  }
0xa3: {  	(xrf1) =	vsort.ascd.msk.f32 $0xffff, v18, v19;
	_ =	sdelay $0x1  }
0xa4: {  	v59 =	vmul.f32 v20, v20;
	v20 =	vshrl.u32 v22, $0x10  }
0xa5: {  	s4 =	sadd.s32 $0x1, s30;
	v20 =	vand.u32 $0x1, v20  }
0xa6: {  	v23 =	vmov s4;
	v20 =	vadd.s32 v20, v22  }
0xa7: {  	v20 =	vadd.s32 $0x7FFF, v20  }
0xa8: {  	v20 =	vand.u32 $0xFFFF0000, v20  }
0xa9: {  	v25 =	vadd.f32 v60, v59;
	v22 =	vmul.f32 v22, v22;
	v20 =	vmul.f32 v20, v11;
	_ =	sdelay $0x1  }
0xaa: {  	v20 =	vadd.f32 v20, v63;
	v15 =	vld.idx.msk [tilespmem:v23+s17+$0x0], $0xffff;
	v19 =	vadd.f32 v22, v25  }
0xab: {  	s1 =	simm.s32 $0x2;
	s0 =	sshll.u32 s31, $0x4;
	v18 =	vld.idx.msk [tilespmem:v16+s3+$0x0], $0xffff  }
.LBB2_3:
0xac: {  	p0 =	sne.s32 s1, $0xF;
	v19 =	vadd.f32 v19, v14;
	v20 =	vadd.f32 v20, v20;
	v21 =	vld.idx.msk [tilespmem:v16+s15+$0x0], $0xffff  }
0xad: {  	v22, v23, _ =	vpop (xrf1)  }
0xae: {  	v22 =	vperm.xlane v22, v2;
	v19 =	vsub.f32 v19, v20;
	v20 =	vld.idx.msk [tilespmem:v16+s16+$0x0], $0xffff  }
0xaf: {  	v23 =	vperm.xlane v23, v2;
	v24, v25, _ =	vpop (xrf1)  }
0xb0: {  	v15 =	vshll.u32 v15, $0x7;
	vm1 =	vle.f32 v24, v22;
	(xrf1) =	vsort.ascd.msk.f32 $0xffff, v19, v17  }
0xb1: {  	v17 =	vor.u32 v0, v15;
	v19 =	vmin.f32 v24, v22;
	v22 =	vsel vm1, v25, v23  }
0xb2: {  	v24 =	vshrl.u32 v18, $0x10;
	v23 =	vmul.f32 v18, v18;
	v25 =	vshrl.u32 v21, $0x10;
	(xrf1) =	vsort.ascd.msk.f32 $0xffff, v19, v22  }
0xb3: {  	v19 =	vmul.f32 v21, v21;
	v22 =	vand.u32 $0x1, v24;
	v24 =	vand.u32 $0x1, v25  }
0xb4: {  	v18 =	vadd.s32 v22, v18;
	v21 =	vadd.s32 v24, v21;
	v22 =	vshrl.u32 v20, $0x10  }
0xb5: {  	v18 =	vadd.s32 $0x7FFF, v18;
	v21 =	vadd.s32 $0x7FFF, v21;
	v22 =	vand.u32 $0x1, v22  }
0xb6: {  	v18 =	vand.u32 $0xFFFF0000, v18;
	v21 =	vand.u32 $0xFFFF0000, v21;
	v22 =	vadd.s32 v22, v20  }
0xb7: {  	v18 =	vmul.f32 v18, v12;
	v21 =	vmul.f32 v21, v13;
	v22 =	vadd.s32 $0x7FFF, v22  }
0xb8: {  	v20 =	vmul.f32 v20, v20;
	v22 =	vand.u32 $0xFFFF0000, v22  }
0xb9: {  	v19 =	vadd.f32 v19, v23;
	v18 =	vadd.f32 v21, v18;
	v21 =	vmul.f32 v22, v11;
	_ =	sdelay $0x1  }
0xba: {  	v19 =	vadd.f32 v20, v19;
	v18 =	vadd.f32 v21, v18  }
0xbb: {  	v20 =	vld.idx.msk [tilespmem:v17+s3+$0x0], $0xffff  }
0xbc: {  	v19 =	vadd.f32 v19, v14;
	v18 =	vadd.f32 v18, v18;
	v21 =	vld.idx.msk [tilespmem:v17+s15+$0x0], $0xffff  }
0xbd: {  	v22, v23, _ =	vpop (xrf1)  }
0xbe: {  	v18 =	vsub.f32 v19, v18;
	v24 =	vld.idx.msk [tilespmem:v17+s16+$0x0], $0xffff;
	v22 =	vperm.xlane v22, v2  }
0xbf: {  	v19 =	vperm.xlane v23, v2;
	v23, v25, _ =	vpop (xrf1)  }
0xc0: {  	vm1 =	vle.f32 v23, v22;
	(xrf1) =	vsort.ascd.msk.f32 $0xffff, v18, v16  }
0xc1: {  	v16 =	vor.u32 v3, v15;
	v18 =	vmin.f32 v23, v22;
	v19 =	vsel vm1, v25, v19  }
0xc2: {  	v22 =	vmul.f32 v20, v20;
	v23 =	vshrl.u32 v20, $0x10;
	v25 =	vshrl.u32 v21, $0x10;
	(xrf1) =	vsort.ascd.msk.f32 $0xffff, v18, v19  }
0xc3: {  	v18 =	vmul.f32 v21, v21;
	v19 =	vand.u32 $0x1, v23;
	v23 =	vand.u32 $0x1, v25  }
0xc4: {  	v19 =	vadd.s32 v19, v20;
	v20 =	vadd.s32 v23, v21;
	v21 =	vshrl.u32 v24, $0x10  }
0xc5: {  	v19 =	vadd.s32 $0x7FFF, v19;
	v20 =	vadd.s32 $0x7FFF, v20;
	v21 =	vand.u32 $0x1, v21  }
0xc6: {  	v19 =	vand.u32 $0xFFFF0000, v19;
	v20 =	vand.u32 $0xFFFF0000, v20;
	v21 =	vadd.s32 v21, v24  }
0xc7: {  	v19 =	vmul.f32 v19, v12;
	v20 =	vmul.f32 v20, v13;
	v21 =	vadd.s32 $0x7FFF, v21  }
0xc8: {  	v23 =	vmul.f32 v24, v24;
	v21 =	vand.u32 $0xFFFF0000, v21  }
0xc9: {  	v18 =	vadd.f32 v18, v22;
	v19 =	vadd.f32 v20, v19;
	v20 =	vmul.f32 v21, v11;
	_ =	sdelay $0x1  }
0xca: {  	v18 =	vadd.f32 v23, v18;
	v19 =	vadd.f32 v20, v19  }
0xcb: {  	v20 =	vld.idx.msk [tilespmem:v16+s3+$0x0], $0xffff  }
0xcc: {  	v18 =	vadd.f32 v18, v14;
	v19 =	vadd.f32 v19, v19;
	v21 =	vld.idx.msk [tilespmem:v16+s15+$0x0], $0xffff  }
0xcd: {  	v22, v23, _ =	vpop (xrf1)  }
0xce: {  	v18 =	vsub.f32 v18, v19;
	v19 =	vld.idx.msk [tilespmem:v16+s16+$0x0], $0xffff;
	v22 =	vperm.xlane v22, v2  }
0xcf: {  	v23 =	vperm.xlane v23, v2;
	v24, v25, _ =	vpop (xrf1)  }
0xd0: {  	(xrf1) =	vsort.ascd.msk.f32 $0xffff, v18, v17;
	vm1 =	vle.f32 v24, v22  }
0xd1: {  	v17 =	vor.u32 v4, v15;
	v18 =	vmin.f32 v24, v22;
	v22 =	vsel vm1, v25, v23  }
0xd2: {  	v24 =	vshrl.u32 v20, $0x10;
	v23 =	vmul.f32 v20, v20;
	v25 =	vshrl.u32 v21, $0x10;
	(xrf1) =	vsort.ascd.msk.f32 $0xffff, v18, v22  }
0xd3: {  	v18 =	vmul.f32 v21, v21;
	v22 =	vand.u32 $0x1, v24;
	v24 =	vand.u32 $0x1, v25  }
0xd4: {  	v20 =	vadd.s32 v22, v20;
	v21 =	vadd.s32 v24, v21;
	v22 =	vshrl.u32 v19, $0x10  }
0xd5: {  	v20 =	vadd.s32 $0x7FFF, v20;
	v21 =	vadd.s32 $0x7FFF, v21;
	v22 =	vand.u32 $0x1, v22  }
0xd6: {  	v20 =	vand.u32 $0xFFFF0000, v20;
	v21 =	vand.u32 $0xFFFF0000, v21;
	v22 =	vadd.s32 v22, v19  }
0xd7: {  	v20 =	vmul.f32 v20, v12;
	v21 =	vmul.f32 v21, v13;
	v22 =	vadd.s32 $0x7FFF, v22  }
0xd8: {  	v19 =	vmul.f32 v19, v19;
	v22 =	vand.u32 $0xFFFF0000, v22  }
0xd9: {  	v18 =	vadd.f32 v18, v23;
	v20 =	vadd.f32 v21, v20;
	v21 =	vmul.f32 v22, v11;
	_ =	sdelay $0x1  }
0xda: {  	v18 =	vadd.f32 v19, v18;
	v19 =	vadd.f32 v21, v20  }
0xdb: {  	v20 =	vld.idx.msk [tilespmem:v17+s3+$0x0], $0xffff  }
0xdc: {  	v18 =	vadd.f32 v18, v14;
	v19 =	vadd.f32 v19, v19;
	v21 =	vld.idx.msk [tilespmem:v17+s15+$0x0], $0xffff  }
0xdd: {  	v22, v23, _ =	vpop (xrf1)  }
0xde: {  	v18 =	vsub.f32 v18, v19;
	v22 =	vperm.xlane v22, v2;
	v19 =	vld.idx.msk [tilespmem:v17+s16+$0x0], $0xffff  }
0xdf: {  	v23 =	vperm.xlane v23, v2;
	v24, v25, _ =	vpop (xrf1)  }
0xe0: {  	vm1 =	vle.f32 v24, v22;
	(xrf1) =	vsort.ascd.msk.f32 $0xffff, v18, v16  }
0xe1: {  	v16 =	vmin.f32 v24, v22;
	v22 =	vor.u32 v5, v15;
	v18 =	vsel vm1, v25, v23  }
0xe2: {  	v24 =	vshrl.u32 v20, $0x10;
	v23 =	vmul.f32 v20, v20;
	v25 =	vshrl.u32 v21, $0x10;
	(xrf1) =	vsort.ascd.msk.f32 $0xffff, v16, v18  }
0xe3: {  	v16 =	vmul.f32 v21, v21;
	v18 =	vand.u32 $0x1, v24;
	v24 =	vand.u32 $0x1, v25  }
0xe4: {  	v18 =	vadd.s32 v18, v20;
	v20 =	vadd.s32 v24, v21;
	v21 =	vshrl.u32 v19, $0x10  }
0xe5: {  	v18 =	vadd.s32 $0x7FFF, v18;
	v20 =	vadd.s32 $0x7FFF, v20;
	v21 =	vand.u32 $0x1, v21  }
0xe6: {  	v18 =	vand.u32 $0xFFFF0000, v18;
	v20 =	vand.u32 $0xFFFF0000, v20;
	v21 =	vadd.s32 v21, v19  }
0xe7: {  	v18 =	vmul.f32 v18, v12;
	v20 =	vmul.f32 v20, v13;
	v21 =	vadd.s32 $0x7FFF, v21  }
0xe8: {  	v19 =	vmul.f32 v19, v19;
	v21 =	vand.u32 $0xFFFF0000, v21  }
0xe9: {  	v16 =	vadd.f32 v16, v23;
	v18 =	vadd.f32 v20, v18;
	v20 =	vmul.f32 v21, v11;
	_ =	sdelay $0x1  }
0xea: {  	v16 =	vadd.f32 v19, v16;
	v18 =	vadd.f32 v20, v18  }
0xeb: {  	v19 =	vld.idx.msk [tilespmem:v22+s3+$0x0], $0xffff  }
0xec: {  	v16 =	vadd.f32 v16, v14;
	v18 =	vadd.f32 v18, v18;
	v20 =	vld.idx.msk [tilespmem:v22+s15+$0x0], $0xffff  }
0xed: {  	v21, v23, _ =	vpop (xrf1)  }
0xee: {  	v16 =	vsub.f32 v16, v18;
	v21 =	vperm.xlane v21, v2;
	v18 =	vld.idx.msk [tilespmem:v22+s16+$0x0], $0xffff  }
0xef: {  	v23 =	vperm.xlane v23, v2;
	v24, v25, _ =	vpop (xrf1)  }
0xf0: {  	vm1 =	vle.f32 v24, v21;
	(xrf1) =	vsort.ascd.msk.f32 $0xffff, v16, v17  }
0xf1: {  	v16 =	vmin.f32 v24, v21;
	v21 =	vor.u32 v6, v15;
	v17 =	vsel vm1, v25, v23  }
0xf2: {  	v24 =	vshrl.u32 v19, $0x10;
	v23 =	vmul.f32 v19, v19;
	v25 =	vshrl.u32 v20, $0x10;
	(xrf1) =	vsort.ascd.msk.f32 $0xffff, v16, v17  }
0xf3: {  	v16 =	vmul.f32 v20, v20;
	v17 =	vand.u32 $0x1, v24;
	v24 =	vand.u32 $0x1, v25  }
0xf4: {  	v17 =	vadd.s32 v17, v19;
	v19 =	vadd.s32 v24, v20;
	v20 =	vshrl.u32 v18, $0x10  }
0xf5: {  	v17 =	vadd.s32 $0x7FFF, v17;
	v19 =	vadd.s32 $0x7FFF, v19;
	v20 =	vand.u32 $0x1, v20  }
0xf6: {  	v17 =	vand.u32 $0xFFFF0000, v17;
	v19 =	vand.u32 $0xFFFF0000, v19;
	v20 =	vadd.s32 v20, v18  }
0xf7: {  	v17 =	vmul.f32 v17, v12;
	v19 =	vmul.f32 v19, v13;
	v20 =	vadd.s32 $0x7FFF, v20  }
0xf8: {  	v18 =	vmul.f32 v18, v18;
	v20 =	vand.u32 $0xFFFF0000, v20  }
0xf9: {  	v16 =	vadd.f32 v16, v23;
	v17 =	vadd.f32 v19, v17;
	v19 =	vmul.f32 v20, v11;
	_ =	sdelay $0x1  }
0xfa: {  	v16 =	vadd.f32 v18, v16;
	v17 =	vadd.f32 v19, v17  }
0xfb: {  	v18 =	vld.idx.msk [tilespmem:v21+s3+$0x0], $0xffff  }
0xfc: {  	v16 =	vadd.f32 v16, v14;
	v17 =	vadd.f32 v17, v17;
	v19 =	vld.idx.msk [tilespmem:v21+s15+$0x0], $0xffff  }
0xfd: {  	v20, v23, _ =	vpop (xrf1)  }
0xfe: {  	v16 =	vsub.f32 v16, v17;
	v20 =	vperm.xlane v20, v2;
	v17 =	vld.idx.msk [tilespmem:v21+s16+$0x0], $0xffff  }
0xff: {  	v23 =	vperm.xlane v23, v2;
	v24, v25, _ =	vpop (xrf1)  }
0x100: {  	vm1 =	vle.f32 v24, v20;
	(xrf1) =	vsort.ascd.msk.f32 $0xffff, v16, v22  }
0x101: {  	v16 =	vmin.f32 v24, v20;
	v22 =	vor.u32 v7, v15;
	v20 =	vsel vm1, v25, v23  }
0x102: {  	v24 =	vshrl.u32 v18, $0x10;
	v23 =	vmul.f32 v18, v18;
	v25 =	vshrl.u32 v19, $0x10;
	(xrf1) =	vsort.ascd.msk.f32 $0xffff, v16, v20  }
0x103: {  	v16 =	vmul.f32 v19, v19;
	v20 =	vand.u32 $0x1, v24;
	v24 =	vand.u32 $0x1, v25  }
0x104: {  	v18 =	vadd.s32 v20, v18;
	v19 =	vadd.s32 v24, v19;
	v20 =	vshrl.u32 v17, $0x10  }
0x105: {  	v18 =	vadd.s32 $0x7FFF, v18;
	v19 =	vadd.s32 $0x7FFF, v19;
	v20 =	vand.u32 $0x1, v20  }
0x106: {  	v18 =	vand.u32 $0xFFFF0000, v18;
	v19 =	vand.u32 $0xFFFF0000, v19;
	v20 =	vadd.s32 v20, v17  }
0x107: {  	v18 =	vmul.f32 v18, v12;
	v19 =	vmul.f32 v19, v13;
	v20 =	vadd.s32 $0x7FFF, v20  }
0x108: {  	v17 =	vmul.f32 v17, v17;
	v20 =	vand.u32 $0xFFFF0000, v20  }
0x109: {  	v16 =	vadd.f32 v16, v23;
	v18 =	vadd.f32 v19, v18;
	v19 =	vmul.f32 v20, v11;
	_ =	sdelay $0x1  }
0x10a: {  	v16 =	vadd.f32 v17, v16;
	v17 =	vadd.f32 v19, v18  }
0x10b: {  	v18 =	vld.idx.msk [tilespmem:v22+s3+$0x0], $0xffff  }
0x10c: {  	v16 =	vadd.f32 v16, v14;
	v17 =	vadd.f32 v17, v17;
	v19 =	vld.idx.msk [tilespmem:v22+s15+$0x0], $0xffff  }
0x10d: {  	v20, v23, _ =	vpop (xrf1)  }
0x10e: {  	v16 =	vsub.f32 v16, v17;
	v20 =	vperm.xlane v20, v2;
	v24 =	vld.idx.msk [tilespmem:v22+s16+$0x0], $0xffff  }
0x10f: {  	v17 =	vperm.xlane v23, v2;
	v23, v25, _ =	vpop (xrf1)  }
0x110: {  	vm1 =	vle.f32 v23, v20;
	(xrf1) =	vsort.ascd.msk.f32 $0xffff, v16, v21  }
0x111: {  	v16 =	vmin.f32 v23, v20;
	v20 =	vsel vm1, v25, v17;
	v17 =	vor.u32 v8, v15  }
0x112: {  	v21 =	vmul.f32 v18, v18;
	v23 =	vshrl.u32 v18, $0x10;
	v25 =	vshrl.u32 v19, $0x10;
	(xrf1) =	vsort.ascd.msk.f32 $0xffff, v16, v20  }
0x113: {  	v16 =	vmul.f32 v19, v19;
	v20 =	vand.u32 $0x1, v23;
	v23 =	vand.u32 $0x1, v25  }
0x114: {  	v18 =	vadd.s32 v20, v18;
	v19 =	vadd.s32 v23, v19;
	v20 =	vshrl.u32 v24, $0x10  }
0x115: {  	v18 =	vadd.s32 $0x7FFF, v18;
	v19 =	vadd.s32 $0x7FFF, v19;
	v20 =	vand.u32 $0x1, v20  }
0x116: {  	v18 =	vand.u32 $0xFFFF0000, v18;
	v19 =	vand.u32 $0xFFFF0000, v19;
	v20 =	vadd.s32 v20, v24  }
0x117: {  	v18 =	vmul.f32 v18, v12;
	v19 =	vmul.f32 v19, v13;
	v20 =	vadd.s32 $0x7FFF, v20  }
0x118: {  	v23 =	vmul.f32 v24, v24;
	v20 =	vand.u32 $0xFFFF0000, v20  }
0x119: {  	v16 =	vadd.f32 v16, v21;
	v18 =	vadd.f32 v19, v18;
	v19 =	vmul.f32 v20, v11;
	_ =	sdelay $0x1  }
0x11a: {  	v16 =	vadd.f32 v23, v16;
	v18 =	vadd.f32 v19, v18  }
0x11b: {  	v19 =	vld.idx.msk [tilespmem:v17+s3+$0x0], $0xffff  }
0x11c: {  	v16 =	vadd.f32 v16, v14;
	v18 =	vadd.f32 v18, v18;
	v20 =	vld.idx.msk [tilespmem:v17+s15+$0x0], $0xffff  }
0x11d: {  	v21, v23, _ =	vpop (xrf1)  }
0x11e: {  	v16 =	vsub.f32 v16, v18;
	v21 =	vperm.xlane v21, v2;
	v18 =	vld.idx.msk [tilespmem:v17+s16+$0x0], $0xffff  }
0x11f: {  	s4 =	sadd.s32 s1, s30;
	v23 =	vperm.xlane v23, v2;
	v24, v25, _ =	vpop (xrf1)  }
0x120: {  	v26 =	vmov s4;
	vm1 =	vle.f32 v24, v21;
	(xrf1) =	vsort.ascd.msk.f32 $0xffff, v16, v22  }
0x121: {  	v21 =	vmin.f32 v24, v21;
	v16 =	vor.u32 v9, v15;
	v22 =	vsel vm1, v25, v23  }
0x122: {  	v15 =	vmul.f32 v19, v19;
	v23 =	vshrl.u32 v19, $0x10;
	v24 =	vshrl.u32 v20, $0x10;
	(xrf1) =	vsort.ascd.msk.f32 $0xffff, v21, v22  }
0x123: {  	v21 =	vmul.f32 v20, v20;
	v22 =	vand.u32 $0x1, v23;
	v23 =	vand.u32 $0x1, v24  }
0x124: {  	v19 =	vadd.s32 v22, v19;
	v20 =	vadd.s32 v23, v20;
	v22 =	vshrl.u32 v18, $0x10  }
0x125: {  	v19 =	vadd.s32 $0x7FFF, v19;
	v20 =	vadd.s32 $0x7FFF, v20;
	v22 =	vand.u32 $0x1, v22  }
0x126: {  	v19 =	vand.u32 $0xFFFF0000, v19;
	v20 =	vand.u32 $0xFFFF0000, v20;
	v22 =	vadd.s32 v22, v18  }
0x127: {  	v19 =	vmul.f32 v19, v12;
	v20 =	vmul.f32 v20, v13;
	v22 =	vadd.s32 $0x7FFF, v22  }
.Ltmp0:
0x128: {  	v18 =	vmul.f32 v18, v18;
	v22 =	vand.u32 $0xFFFF0000, v22;
	(pc) =	sbr.rel @p0 .LBB2_3-.Ltmp0, $3  }
0x129: {  	v21 =	vadd.f32 v21, v15;
	v20 =	vadd.f32 v20, v19;
	v22 =	vmul.f32 v22, v11;
	_ =	sdelay $0x1  }
0x12a: {  	v19 =	vadd.f32 v18, v21;
	v20 =	vadd.f32 v22, v20;
	v15 =	vld.idx.msk [tilespmem:v26+s17+$0x0], $0xffff  }
0x12b: {  	s1 =	sadd.s32 $0x1, s1;
	v18 =	vld.idx.msk [tilespmem:v16+s3+$0x0], $0xffff  }
0x12c: {  	_ =	sdelay $0x2  }
0x12d: {  	v19 =	vadd.f32 v19, v14;
	v20 =	vadd.f32 v20, v20  }
0x12e: {  	v21 =	vld.idx.msk [tilespmem:v16+s15+$0x0], $0xffff;
	v22, v23, _ =	vpop (xrf1)  }
0x12f: {  	v22 =	vperm.xlane v22, v2;
	v19 =	vsub.f32 v19, v20  }
0x130: {  	v38 =	vld.idx.msk [tilespmem:v16+s16+$0x0], $0xffff;
	v23 =	vperm.xlane v23, v2;
	v24, v25, _ =	vpop (xrf1)  }
0x131: {  	vm1 =	vle.f32 v24, v22;
	(xrf1) =	vsort.ascd.msk.f32 $0xffff, v19, v17  }
0x132: {  	v15 =	vshll.u32 v15, $0x7;
	v39 =	vmin.f32 v24, v22;
	v40 =	vsel vm1, v25, v23  }
0x133: {  	v41 =	vmul.f32 v18, v18;
	v42 =	vshrl.u32 v18, $0x10;
	v43 =	vshrl.u32 v21, $0x10;
	(xrf1) =	vsort.ascd.msk.f32 $0xffff, v39, v40  }
0x134: {  	v44 =	vmul.f32 v21, v21;
	v45 =	vand.u32 $0x1, v42;
	v46 =	vand.u32 $0x1, v43  }
0x135: {  	v49 =	vshrl.u32 v38, $0x10;
	v47 =	vadd.s32 v45, v18;
	v48 =	vadd.s32 v46, v21  }
0x136: {  	v18 =	vadd.s32 $0x7FFF, v47;
	v21 =	vand.u32 $0x1, v49;
	v19 =	vadd.s32 $0x7FFF, v48  }
0x137: {  	v18 =	vand.u32 $0xFFFF0000, v18;
	v21 =	vadd.s32 v21, v38;
	v19 =	vand.u32 $0xFFFF0000, v19  }
0x138: {  	v18 =	vmul.f32 v18, v12;
	v21 =	vadd.s32 $0x7FFF, v21;
	v19 =	vmul.f32 v19, v13  }
0x139: {  	v50 =	vor.u32 v0, v15;
	v20 =	vmul.f32 v38, v38;
	v21 =	vand.u32 $0xFFFF0000, v21  }
0x13a: {  	v17 =	vadd.f32 v44, v41;
	v51 =	vmul.f32 v21, v11;
	v18 =	vadd.f32 v19, v18;
	_ =	sdelay $0x1  }
0x13b: {  	v17 =	vadd.f32 v20, v17;
	v18 =	vadd.f32 v51, v18;
	_ =	sdelay $0x1  }
0x13c: {  	v52 =	vld.idx.msk [tilespmem:v50+s3+$0x0], $0xffff;
	v17 =	vadd.f32 v17, v14;
	v18 =	vadd.f32 v18, v18  }
0x13d: {  	v53 =	vld.idx.msk [tilespmem:v50+s15+$0x0], $0xffff;
	v55, v54, _ =	vpop (xrf1)  }
0x13e: {  	v17 =	vsub.f32 v17, v18;
	v21 =	vperm.xlane v55, v2  }
0x13f: {  	v56 =	vld.idx.msk [tilespmem:v50+s16+$0x0], $0xffff;
	v22 =	vperm.xlane v54, v2;
	v58, v57, _ =	vpop (xrf1)  }
0x140: {  	(xrf1) =	vsort.ascd.msk.f32 $0xffff, v17, v16;
	vm1 =	vle.f32 v58, v21  }
0x141: {  	v59 =	vmin.f32 v58, v21;
	v60 =	vsel vm1, v57, v22  }
0x142: {  	v61 =	vmul.f32 v52, v52;
	v62 =	vshrl.u32 v52, $0x10;
	v63 =	vshrl.u32 v53, $0x10;
	(xrf1) =	vsort.ascd.msk.f32 $0xffff, v59, v60  }
0x143: {  	v25 =	vmul.f32 v53, v53;
	v26 =	vand.u32 $0x1, v62;
	v27 =	vand.u32 $0x1, v63  }
0x144: {  	v29 =	vshrl.u32 v56, $0x10;
	v28 =	vadd.s32 v27, v53;
	v17 =	vadd.s32 v26, v52  }
0x145: {  	v20 =	vand.u32 $0x1, v29;
	v19 =	vadd.s32 $0x7FFF, v28;
	v17 =	vadd.s32 $0x7FFF, v17  }
0x146: {  	v20 =	vadd.s32 v20, v56;
	v19 =	vand.u32 $0xFFFF0000, v19;
	v17 =	vand.u32 $0xFFFF0000, v17  }
0x147: {  	v20 =	vadd.s32 $0x7FFF, v20;
	v19 =	vmul.f32 v19, v13;
	v17 =	vmul.f32 v17, v12  }
0x148: {  	v30 =	vor.u32 v3, v15;
	v18 =	vmul.f32 v56, v56;
	v20 =	vand.u32 $0xFFFF0000, v20  }
0x149: {  	v31 =	vmul.f32 v20, v11;
	v16 =	vadd.f32 v25, v61;
	v17 =	vadd.f32 v19, v17;
	_ =	sdelay $0x1  }
0x14a: {  	v16 =	vadd.f32 v18, v16;
	v17 =	vadd.f32 v31, v17;
	_ =	sdelay $0x1  }
0x14b: {  	v32 =	vld.idx.msk [tilespmem:v30+s3+$0x0], $0xffff;
	v16 =	vadd.f32 v16, v14;
	v17 =	vadd.f32 v17, v17  }
0x14c: {  	v33 =	vld.idx.msk [tilespmem:v30+s15+$0x0], $0xffff;
	v35, v34, _ =	vpop (xrf1)  }
0x14d: {  	v16 =	vsub.f32 v16, v17;
	v36 =	vperm.xlane v35, v2  }
0x14e: {  	v37 =	vld.idx.msk [tilespmem:v30+s16+$0x0], $0xffff;
	v21 =	vperm.xlane v34, v2;
	v39, v38, _ =	vpop (xrf1)  }
0x14f: {  	(xrf1) =	vsort.ascd.msk.f32 $0xffff, v16, v50;
	vm1 =	vle.f32 v39, v36  }
0x150: {  	v40 =	vmin.f32 v39, v36;
	v41 =	vsel vm1, v38, v21  }
0x151: {  	v42 =	vmul.f32 v32, v32;
	v43 =	vshrl.u32 v32, $0x10;
	v44 =	vshrl.u32 v33, $0x10;
	(xrf1) =	vsort.ascd.msk.f32 $0xffff, v40, v41  }
0x152: {  	v45 =	vmul.f32 v33, v33;
	v46 =	vand.u32 $0x1, v43;
	v47 =	vand.u32 $0x1, v44  }
0x153: {  	v49 =	vshrl.u32 v37, $0x10;
	v48 =	vadd.s32 v47, v33;
	v17 =	vadd.s32 v46, v32  }
0x154: {  	v18 =	vadd.s32 $0x7FFF, v48;
	v19 =	vand.u32 $0x1, v49;
	v17 =	vadd.s32 $0x7FFF, v17  }
0x155: {  	v18 =	vand.u32 $0xFFFF0000, v18;
	v19 =	vadd.s32 v19, v37;
	v17 =	vand.u32 $0xFFFF0000, v17  }
0x156: {  	v18 =	vmul.f32 v18, v13;
	v19 =	vadd.s32 $0x7FFF, v19;
	v17 =	vmul.f32 v17, v12  }
0x157: {  	v20 =	vmul.f32 v37, v37;
	v19 =	vand.u32 $0xFFFF0000, v19;
	v50 =	vor.u32 v4, v15  }
0x158: {  	v51 =	vmul.f32 v19, v11;
	v16 =	vadd.f32 v45, v42;
	v17 =	vadd.f32 v18, v17;
	_ =	sdelay $0x1  }
0x159: {  	v16 =	vadd.f32 v20, v16;
	v17 =	vadd.f32 v51, v17;
	_ =	sdelay $0x1  }
0x15a: {  	v16 =	vadd.f32 v16, v14;
	v52 =	vld.idx.msk [tilespmem:v50+s3+$0x0], $0xffff;
	v17 =	vadd.f32 v17, v17  }
0x15b: {  	v53 =	vld.idx.msk [tilespmem:v50+s15+$0x0], $0xffff;
	v55, v54, _ =	vpop (xrf1)  }
0x15c: {  	v16 =	vsub.f32 v16, v17;
	v20 =	vperm.xlane v55, v2  }
0x15d: {  	v56 =	vld.idx.msk [tilespmem:v50+s16+$0x0], $0xffff;
	v21 =	vperm.xlane v54, v2;
	v58, v57, _ =	vpop (xrf1)  }
0x15e: {  	(xrf1) =	vsort.ascd.msk.f32 $0xffff, v16, v30;
	vm1 =	vle.f32 v58, v20  }
0x15f: {  	v59 =	vmin.f32 v58, v20;
	v60 =	vsel vm1, v57, v21  }
0x160: {  	v61 =	vmul.f32 v52, v52;
	v62 =	vshrl.u32 v52, $0x10;
	v63 =	vshrl.u32 v53, $0x10;
	(xrf1) =	vsort.ascd.msk.f32 $0xffff, v59, v60  }
0x161: {  	v26 =	vmul.f32 v53, v53;
	v27 =	vand.u32 $0x1, v62;
	v28 =	vand.u32 $0x1, v63  }
0x162: {  	v29 =	vshrl.u32 v56, $0x10;
	v18 =	vadd.s32 v27, v52;
	v19 =	vadd.s32 v28, v53  }
0x163: {  	v18 =	vadd.s32 $0x7FFF, v18;
	v19 =	vadd.s32 $0x7FFF, v19;
	v20 =	vand.u32 $0x1, v29  }
0x164: {  	v18 =	vand.u32 $0xFFFF0000, v18;
	v19 =	vand.u32 $0xFFFF0000, v19;
	v20 =	vadd.s32 v20, v56  }
0x165: {  	v18 =	vmul.f32 v18, v12;
	v19 =	vmul.f32 v19, v13;
	v20 =	vadd.s32 $0x7FFF, v20  }
0x166: {  	v17 =	vmul.f32 v56, v56;
	v30 =	vor.u32 v5, v15;
	v20 =	vand.u32 $0xFFFF0000, v20  }
0x167: {  	v16 =	vadd.f32 v26, v61;
	v18 =	vadd.f32 v19, v18;
	v31 =	vmul.f32 v20, v11;
	_ =	sdelay $0x1  }
0x168: {  	v16 =	vadd.f32 v17, v16;
	v32 =	vadd.f32 v31, v18;
	_ =	sdelay $0x1  }
0x169: {  	v16 =	vadd.f32 v16, v14;
	v33 =	vld.idx.msk [tilespmem:v30+s3+$0x0], $0xffff;
	v17 =	vadd.f32 v32, v32  }
0x16a: {  	v34 =	vld.idx.msk [tilespmem:v30+s15+$0x0], $0xffff;
	v36, v35, _ =	vpop (xrf1)  }
0x16b: {  	v20 =	vperm.xlane v36, v2;
	v16 =	vsub.f32 v16, v17  }
0x16c: {  	v37 =	vld.idx.msk [tilespmem:v30+s16+$0x0], $0xffff;
	v21 =	vperm.xlane v35, v2;
	v39, v38, _ =	vpop (xrf1)  }
0x16d: {  	(xrf1) =	vsort.ascd.msk.f32 $0xffff, v16, v50;
	vm1 =	vle.f32 v39, v20  }
0x16e: {  	v40 =	vmin.f32 v39, v20;
	v41 =	vsel vm1, v38, v21  }
0x16f: {  	v42 =	vmul.f32 v33, v33;
	v43 =	vshrl.u32 v33, $0x10;
	v44 =	vshrl.u32 v34, $0x10;
	(xrf1) =	vsort.ascd.msk.f32 $0xffff, v40, v41  }
0x170: {  	v45 =	vmul.f32 v34, v34;
	v46 =	vand.u32 $0x1, v43;
	v47 =	vand.u32 $0x1, v44  }
0x171: {  	v48 =	vshrl.u32 v37, $0x10;
	v19 =	vadd.s32 v47, v34;
	v18 =	vadd.s32 v46, v33  }
0x172: {  	v19 =	vadd.s32 $0x7FFF, v19;
	v18 =	vadd.s32 $0x7FFF, v18;
	v20 =	vand.u32 $0x1, v48  }
0x173: {  	v19 =	vand.u32 $0xFFFF0000, v19;
	v18 =	vand.u32 $0xFFFF0000, v18;
	v20 =	vadd.s32 v20, v37  }
0x174: {  	v19 =	vmul.f32 v19, v13;
	v18 =	vmul.f32 v18, v12;
	v20 =	vadd.s32 $0x7FFF, v20  }
0x175: {  	v49 =	vor.u32 v6, v15;
	v17 =	vmul.f32 v37, v37;
	v20 =	vand.u32 $0xFFFF0000, v20  }
0x176: {  	v18 =	vadd.f32 v19, v18;
	v16 =	vadd.f32 v45, v42;
	v50 =	vmul.f32 v20, v11;
	_ =	sdelay $0x1  }
0x177: {  	v16 =	vadd.f32 v17, v16;
	v51 =	vadd.f32 v50, v18;
	_ =	sdelay $0x1  }
0x178: {  	v52 =	vld.idx.msk [tilespmem:v49+s3+$0x0], $0xffff;
	v16 =	vadd.f32 v16, v14;
	v17 =	vadd.f32 v51, v51  }
0x179: {  	v53 =	vld.idx.msk [tilespmem:v49+s15+$0x0], $0xffff;
	v55, v54, _ =	vpop (xrf1)  }
0x17a: {  	v20 =	vperm.xlane v55, v2;
	v16 =	vsub.f32 v16, v17  }
0x17b: {  	v56 =	vld.idx.msk [tilespmem:v49+s16+$0x0], $0xffff;
	v21 =	vperm.xlane v54, v2;
	v58, v57, _ =	vpop (xrf1)  }
0x17c: {  	(xrf1) =	vsort.ascd.msk.f32 $0xffff, v16, v30;
	vm1 =	vle.f32 v58, v20  }
0x17d: {  	v59 =	vmin.f32 v58, v20;
	v60 =	vsel vm1, v57, v21  }
0x17e: {  	v61 =	vmul.f32 v52, v52;
	v62 =	vshrl.u32 v52, $0x10;
	v63 =	vshrl.u32 v53, $0x10;
	(xrf1) =	vsort.ascd.msk.f32 $0xffff, v59, v60  }
0x17f: {  	v26 =	vmul.f32 v53, v53;
	v27 =	vand.u32 $0x1, v62;
	v28 =	vand.u32 $0x1, v63  }
0x180: {  	v29 =	vshrl.u32 v56, $0x10;
	v19 =	vadd.s32 v28, v53;
	v18 =	vadd.s32 v27, v52  }
0x181: {  	v19 =	vadd.s32 $0x7FFF, v19;
	v18 =	vadd.s32 $0x7FFF, v18;
	v20 =	vand.u32 $0x1, v29  }
0x182: {  	v19 =	vand.u32 $0xFFFF0000, v19;
	v18 =	vand.u32 $0xFFFF0000, v18;
	v20 =	vadd.s32 v20, v56  }
0x183: {  	v19 =	vmul.f32 v19, v13;
	v18 =	vmul.f32 v18, v12;
	v20 =	vadd.s32 $0x7FFF, v20  }
0x184: {  	v17 =	vmul.f32 v56, v56;
	v30 =	vor.u32 v7, v15;
	v20 =	vand.u32 $0xFFFF0000, v20  }
0x185: {  	v18 =	vadd.f32 v19, v18;
	v16 =	vadd.f32 v26, v61;
	v31 =	vmul.f32 v20, v11;
	_ =	sdelay $0x1  }
0x186: {  	v16 =	vadd.f32 v17, v16;
	v32 =	vadd.f32 v31, v18;
	_ =	sdelay $0x1  }
0x187: {  	v16 =	vadd.f32 v16, v14;
	v33 =	vld.idx.msk [tilespmem:v30+s3+$0x0], $0xffff;
	v17 =	vadd.f32 v32, v32  }
0x188: {  	v34 =	vld.idx.msk [tilespmem:v30+s15+$0x0], $0xffff;
	v36, v35, _ =	vpop (xrf1)  }
0x189: {  	v20 =	vperm.xlane v36, v2;
	v16 =	vsub.f32 v16, v17  }
0x18a: {  	v37 =	vld.idx.msk [tilespmem:v30+s16+$0x0], $0xffff;
	v21 =	vperm.xlane v35, v2;
	v39, v38, _ =	vpop (xrf1)  }
0x18b: {  	(xrf1) =	vsort.ascd.msk.f32 $0xffff, v16, v49;
	vm1 =	vle.f32 v39, v20  }
0x18c: {  	v40 =	vmin.f32 v39, v20;
	v41 =	vsel vm1, v38, v21  }
0x18d: {  	v42 =	vmul.f32 v33, v33;
	v43 =	vshrl.u32 v33, $0x10;
	v44 =	vshrl.u32 v34, $0x10;
	(xrf1) =	vsort.ascd.msk.f32 $0xffff, v40, v41  }
0x18e: {  	v45 =	vmul.f32 v34, v34;
	v46 =	vand.u32 $0x1, v43;
	v47 =	vand.u32 $0x1, v44  }
0x18f: {  	v48 =	vshrl.u32 v37, $0x10;
	v18 =	vadd.s32 v46, v33;
	v19 =	vadd.s32 v47, v34  }
0x190: {  	v18 =	vadd.s32 $0x7FFF, v18;
	v19 =	vadd.s32 $0x7FFF, v19;
	v20 =	vand.u32 $0x1, v48  }
0x191: {  	v18 =	vand.u32 $0xFFFF0000, v18;
	v19 =	vand.u32 $0xFFFF0000, v19;
	v20 =	vadd.s32 v20, v37  }
0x192: {  	v18 =	vmul.f32 v18, v12;
	v19 =	vmul.f32 v19, v13;
	v20 =	vadd.s32 $0x7FFF, v20  }
0x193: {  	v17 =	vmul.f32 v37, v37;
	v49 =	vor.u32 v8, v15;
	v20 =	vand.u32 $0xFFFF0000, v20  }
0x194: {  	v16 =	vadd.f32 v45, v42;
	v18 =	vadd.f32 v19, v18;
	v50 =	vmul.f32 v20, v11;
	_ =	sdelay $0x1  }
0x195: {  	v16 =	vadd.f32 v17, v16;
	v51 =	vadd.f32 v50, v18;
	_ =	sdelay $0x1  }
0x196: {  	v16 =	vadd.f32 v16, v14;
	v52 =	vld.idx.msk [tilespmem:v49+s3+$0x0], $0xffff;
	v17 =	vadd.f32 v51, v51  }
0x197: {  	v53 =	vld.idx.msk [tilespmem:v49+s15+$0x0], $0xffff;
	v55, v54, _ =	vpop (xrf1)  }
0x198: {  	v20 =	vperm.xlane v55, v2;
	v16 =	vsub.f32 v16, v17  }
0x199: {  	v56 =	vld.idx.msk [tilespmem:v49+s16+$0x0], $0xffff;
	v21 =	vperm.xlane v54, v2;
	v58, v57, _ =	vpop (xrf1)  }
0x19a: {  	(xrf1) =	vsort.ascd.msk.f32 $0xffff, v16, v30;
	vm1 =	vle.f32 v58, v20  }
0x19b: {  	v59 =	vmin.f32 v58, v20;
	v60 =	vsel vm1, v57, v21  }
0x19c: {  	v61 =	vmul.f32 v52, v52;
	v62 =	vshrl.u32 v52, $0x10;
	v63 =	vshrl.u32 v53, $0x10;
	(xrf1) =	vsort.ascd.msk.f32 $0xffff, v59, v60  }
0x19d: {  	v25 =	vmul.f32 v53, v53;
	v26 =	vand.u32 $0x1, v62;
	v27 =	vand.u32 $0x1, v63  }
0x19e: {  	v28 =	vshrl.u32 v56, $0x10;
	v18 =	vadd.s32 v26, v52;
	v19 =	vadd.s32 v27, v53  }
0x19f: {  	v18 =	vadd.s32 $0x7FFF, v18;
	v19 =	vadd.s32 $0x7FFF, v19;
	v20 =	vand.u32 $0x1, v28  }
0x1a0: {  	v18 =	vand.u32 $0xFFFF0000, v18;
	v19 =	vand.u32 $0xFFFF0000, v19;
	v20 =	vadd.s32 v20, v56  }
0x1a1: {  	v18 =	vmul.f32 v18, v12;
	v19 =	vmul.f32 v19, v13;
	v20 =	vadd.s32 $0x7FFF, v20  }
0x1a2: {  	v15 =	vor.u32 v9, v15;
	v17 =	vmul.f32 v56, v56;
	v20 =	vand.u32 $0xFFFF0000, v20  }
0x1a3: {  	v16 =	vadd.f32 v25, v61;
	v18 =	vadd.f32 v19, v18;
	v29 =	vmul.f32 v20, v11;
	_ =	sdelay $0x1  }
0x1a4: {  	v16 =	vadd.f32 v17, v16;
	v30 =	vadd.f32 v29, v18;
	_ =	sdelay $0x1  }
0x1a5: {  	v31 =	vld.idx.msk [tilespmem:v15+s3+$0x0], $0xffff;
	v16 =	vadd.f32 v16, v14;
	v17 =	vadd.f32 v30, v30  }
0x1a6: {  	v32 =	vld.idx.msk [tilespmem:v15+s15+$0x0], $0xffff;
	v34, v33, _ =	vpop (xrf1)  }
0x1a7: {  	v20 =	vperm.xlane v34, v2;
	v16 =	vsub.f32 v16, v17  }
0x1a8: {  	v35 =	vld.idx.msk [tilespmem:v15+s16+$0x0], $0xffff;
	v21 =	vperm.xlane v33, v2;
	v36, v24, _ =	vpop (xrf1)  }
0x1a9: {  	(xrf1) =	vsort.ascd.msk.f32 $0xffff, v16, v49;
	vm1 =	vle.f32 v36, v20  }
0x1aa: {  	v37 =	vmin.f32 v36, v20;
	v38 =	vsel vm1, v24, v21  }
0x1ab: {  	v39 =	vmul.f32 v31, v31;
	v40 =	vshrl.u32 v31, $0x10;
	v41 =	vshrl.u32 v32, $0x10;
	(xrf1) =	vsort.ascd.msk.f32 $0xffff, v37, v38  }
0x1ac: {  	v42 =	vmul.f32 v32, v32;
	v43 =	vand.u32 $0x1, v40;
	v44 =	vand.u32 $0x1, v41  }
0x1ad: {  	v45 =	vshrl.u32 v35, $0x10;
	v19 =	vadd.s32 v44, v32;
	v18 =	vadd.s32 v43, v31  }
0x1ae: {  	v19 =	vadd.s32 $0x7FFF, v19;
	v18 =	vadd.s32 $0x7FFF, v18;
	v20 =	vand.u32 $0x1, v45  }
0x1af: {  	v19 =	vand.u32 $0xFFFF0000, v19;
	v18 =	vand.u32 $0xFFFF0000, v18;
	v20 =	vadd.s32 v20, v35  }
0x1b0: {  	v47 =	vmul.f32 v19, v13;
	v46 =	vmul.f32 v18, v12;
	v48 =	vadd.s32 $0x7FFF, v20  }
0x1b1: {  	v17 =	vmul.f32 v35, v35;
	v18 =	vand.u32 $0xFFFF0000, v48  }
0x1b2: {  	v12 =	vadd.f32 v47, v46;
	v16 =	vadd.f32 v42, v39;
	v11 =	vmul.f32 v18, v11;
	_ =	sdelay $0x1  }
0x1b3: {  	v49 =	vadd.f32 v17, v16;
	v11 =	vadd.f32 v11, v12;
	_ =	sdelay $0x1  }
0x1b4: {  	v50 =	vadd.f32 v49, v14;
	v11 =	vadd.f32 v11, v11  }
0x1b5: {  	v13, v14, _ =	vpop (xrf1)  }
0x1b6: {  	v13 =	vperm.xlane v13, v2;
	v11 =	vsub.f32 v50, v11  }
0x1b7: {  	v51 =	vperm.xlane v14, v2;
	v53, v52, _ =	vpop (xrf1)  }
0x1b8: {  	(xrf1) =	vsort.ascd.msk.f32 $0xffff, v11, v15;
	vm1 =	vle.f32 v53, v13  }
0x1b9: {  	v11 =	vmin.f32 v53, v13;
	v12 =	vsel vm1, v52, v51  }
0x1ba: {  	(xrf1) =	vsort.ascd.msk.f32 $0xffff, v11, v12;
	_ =	sdelay $0xb  }
0x1bb: {  	v11, v12, _ =	vpop (xrf1)  }
0x1bc: {  	v11 =	vperm.xlane v11, v2  }
0x1bd: {  	v12 =	vperm.xlane v12, v2;
	v13, v14, _ =	vpop (xrf1)  }
0x1be: {  	vm1 =	vle.f32 v13, v11  }
0x1bf: {  	v11 =	vmin.f32 v13, v11;
	v12 =	vsel vm1, v14, v12  }
0x1c0: {  	(xrf1) =	vsort.ascd.msk.f32 $0xffff, v11, v12;
	_ =	sdelay $0xd  }
0x1c1: {  	v11, v12, _ =	vpop (xrf1);
	_ =	sdelay $0x2  }
0x1c2: {  	v11 =	vor.u32 s0, v0;
	s0 =	simm.s32 $0x0  }
0x1c3: {  	v55 =	vshll.u32 v11, $0x7;
	v54 =	vld.idx.msk [tilespmem:v12+s0+$0x0], $0xffff  }
0x1c4: {  	v57 =	vor.u32 $0x1, v55;
	v56 =	vld.idx.msk [tilespmem:v12+s15+$0x0], $0xffff  }
0x1c5: {  	v59 =	vor.u32 $0x2, v55;
	v58 =	vld.idx.msk [tilespmem:v12+s16+$0x0], $0xffff  }
0x1c6: {  	v60 =	vor.u32 $0x3, v55  }
0x1c7: {  	v61 =	vor.u32 $0x4, v55  }
0x1c8: {  	v62 =	vor.u32 $0x5, v55;
	[tilespmem:v55+s21+$0x0] =	vst.idx.msk $0xffff, v54  }
0x1c9: {  	v63 =	vor.u32 $0x6, v55;
	[tilespmem:v57+s21+$0x0] =	vst.idx.msk $0xffff, v56  }
0x1ca: {  	s31 =	sadd.s32 $0x1, s31;
	v14 =	vor.u32 $0x7, v55;
	[tilespmem:v59+s21+$0x0] =	vst.idx.msk $0xffff, v58  }
0x1cb: {  	p0 =	sne.s32 s31, $0x20;
	[tilespmem:v60+s21+$0x0] =	vst.idx.msk $0xffff, v10  }
.Ltmp1:
0x1cc: {  	[tilespmem:v61+s21+$0x0] =	vst.idx.msk $0xffff, v10;
	(pc) =	sbr.rel @p0 .LBB2_2-.Ltmp1, $4  }
0x1cd: {  	[tilespmem:v62+s21+$0x0] =	vst.idx.msk $0xffff, v10  }
0x1ce: {  	[tilespmem:v63+s21+$0x0] =	vst.idx.msk $0xffff, v10  }
0x1cf: {  	v12 =	vadd.s32 v1, v12;
	[tilespmem:v14+s21+$0x0] =	vst.idx.msk $0xffff, v10  }
0x1d0: {  	s30 =	sadd.s32 $0x10, s30;
	[tilespmem:v11+s22+$0x0] =	vst.idx.msk $0xffff, v12  }
0x1d1: {  	s1 =	smov.u32 s13  }
.LBB2_6:
0x1d2: {  	s4 =	sshra.s32 s0, $0x2  }
0x1d3: {  	v11 =	vld [tilespmem:s4+$0xC380];
	_ =	sdelay $0x4  }
0x1d4: {  	v12 =	vshll.u32 v11, $0x1  }
0x1d5: {  	v11 =	vand.u32 $0x7, v11;
	v12 =	vand.u32 $0xFFFFFFF0, v12  }
0x1d6: {  	v62 =	vand.u32 $0x7, v0;
	v13 =	vshrl.u32 v0, $0x3;
	v11 =	vor.u32 v11, v12  }
0x1d7: {  	v13 =	vmul.u32 $0x8, v13;
	v14 =	vperm.xlane v11, v62  }
0x1d8: {  	v15 =	vor.u32 $0x8, v0  }
0x1d9: {  	v11 =	vperm.xlane v11, v15;
	v14 =	vadd.s32 v13, v14;
	_ =	sdelay $0x1  }
0x1da: {  	v11 =	vadd.s32 v13, v11;
	_ =	sdelay $0x2  }
0x1db: {  	[tilespmem:s23], [sflag:$0x1] =	stream.indirect_vreg.gather [hbm4b:s2+s3], $0x80, v14, vm0, $0xb8;
	[tilespmem:$0x1E580] =	vst v63  }
0x1dc: {  	_ = 	snop  }
0x1dd: {  	[tilespmem:s24], [sflag:$0x1] =	stream.indirect_vreg.gather [hbm4b:s2+s3], $0x80, v11, vm0, $0xb8;
	[tilespmem:$0x1E580] =	vst v63  }
0x1de: {  	v11 =	vld [tilespmem:s4+$0xC390];
	_ =	sdelay $0x4  }
0x1df: {  	v63 =	vshll.u32 v11, $0x1  }
0x1e0: {  	v11 =	vand.u32 $0x7, v11;
	v14 =	vand.u32 $0xFFFFFFF0, v63  }
0x1e1: {  	v11 =	vor.u32 v11, v14  }
0x1e2: {  	v12 =	vperm.xlane v11, v62;
	_ =	sdelay $0x1  }
0x1e3: {  	v11 =	vperm.xlane v11, v15;
	v12 =	vadd.s32 v13, v12;
	_ =	sdelay $0x1  }
0x1e4: {  	v11 =	vadd.s32 v13, v11;
	_ =	sdelay $0x2  }
0x1e5: {  	[tilespmem:s25], [sflag:$0x1] =	stream.indirect_vreg.gather [hbm4b:s2+s3], $0x80, v12, vm0, $0xb8;
	[tilespmem:$0x1E580] =	vst v63  }
0x1e6: {  	_ = 	snop  }
0x1e7: {  	[tilespmem:s26], [sflag:$0x1] =	stream.indirect_vreg.gather [hbm4b:s2+s3], $0x80, v11, vm0, $0xb8;
	[tilespmem:$0x1E580] =	vst v63  }
0x1e8: {  	_ =	swait.ge [sflag:s28], $0x2000  }
0x1e9: {  	p0 =	sne.s32 s0, $0x780;
	[sflag:s28] =	ssyncset.done $0x0  }
.Ltmp2:
0x1ea: {  	[sflag:s28] =	ssyncadd.s32 $0xFFFFE000;
	(pc) =	sbr.rel @p0 .LBB2_6-.Ltmp2, $4  }
0x1eb: {  	[hbm4b:s1+s3] =	stream.linear.scatter [tilespmem:s23], [sflag:$0x2], $0x2000, $0x38;
	[tilespmem:$0x1E580] =	vst v63  }
0x1ec: {  	_ =	swait.ge [sflag:s14], $0x2000  }
0x1ed: {  	[sflag:s14] =	ssyncset.done $0x0  }
0x1ee: {  	s0 =	sadd.s32 $0x80, s0;
	s1 =	sadd.s32 $0x400, s1;
	[sflag:s14] =	ssyncadd.s32 $0xFFFFE000  }
0x1ef: {  	s29 =	sadd.s32 $0x1, s29  }
0x1f0: {  	p0 =	sne.s32 s29, s12  }
.Ltmp3:
0x1f1: {  	_ = 	snop;
	(pc) =	sbr.rel @p0 .LBB2_1-.Ltmp3, $4  }
0x1f2: {  	[hbm4b:s11+s3] =	stream.linear.scatter [tilespmem:s21], [sflag:$0x2], $0x10000, $0x38;
	[tilespmem:$0x1E580] =	vst v63  }
0x1f3: {  	_ =	swait.ge [sflag:s14], $0x10000  }
0x1f4: {  	[sflag:s14] =	ssyncset.done $0x0  }
0x1f5: {  	[sflag:s14] =	ssyncadd.s32 $0xFFFF0000  }
0x1f6: {  	_ =	sfence.sel $0x180000  }
0x1f7: {  	[bflag:$0x0] =	sbarrier.arrive $0xFFFF  }
0x1f8: {  	_ =	strace $0x90000047  }
0x1f9: {  	s0 =	stileid.u32;
	[bflag:$0x2] =	sbarrier.arrive $0xFFFF  }
0x1fa: {  	p0 =	sne.s32 s0, $0x0;
	s0 =	rddreg [dreg:$0x3]  }
0x1fb: {  	s0 =	sadd.s32 @!p0 $0x100000, s0  }
0x1fc: {  	[sflag:s0] =	ssyncadd.tile.s32 @!p0 $0x1;
	_ =	shalt  }
.Lfunc_end2:
_tile_overlayer_lowered:
.L_overlay_start_2:
0x1fd: {  	(tag) =	ssettag $0x2  }
0x1fe: {  	s0 =	rddreg [dreg:$0x0];
	s2 =	stileid.u32  }
0x1ff: {  	s1 =	rddreg [dreg:$0x1];
	p0 =	sne.s32 s2, $0x0  }
0x200: {  	s3 =	rddreg [dreg:$0x2];
	[bflag:$0x3] =	sbarrier.arrive $0xFFFF;
	s2 =	simm.s32 @!p0 $0x1C02  }
0x201: {  	[timem:s3], [sflag:s2] =	dma.local @!p0 [hbm:s0], s1  }
0x202: {  	s0 =	simm.s32 @!p0 $0x2  }
0x203: {  	_ =	swait.ge @!p0 [sflag:s0], s1  }
0x204: {  	s1 =	ssub.s32 @!p0 $0x0, s1;
	[sflag:s0] =	ssyncset.done @!p0 $0x0  }
0x205: {  	[sflag:s0] =	ssyncadd.s32 @!p0 s1  }
0x206: {  	[bflag:$0x3] =	sbarrier.arrive $0xFFFF  }
0x207: {  	_ =	shalt  }

</sc_bundles>
